<compile_context>
chip_gen: v7x
topology: tpu7x:2x2x1
jax: 0.10.2.dev20260603
libtpu: 0.0.44.dev20260713+nightly
codegen_flags: <defaults>
</compile_context>

<pallas_src>
import functools

import jax
import jax.numpy as jnp
from jax import lax
from jax.experimental import pallas as pl
from jax.experimental.pallas import tpu as pltpu
from jax.experimental.pallas import tpu_sc as plsc

N_NODES = 10000
N_PAD = 10240
D = 128
G = 64
NCLS = 10
BLK = 512
NBLK = N_PAD // BLK
E = 320000
CH = 128
NCH = 79
E_TILE = NCH * CH
E_PAD = 32 * E_TILE
N_TROWS = N_PAD // 16
DUMMY = N_NODES


def _sc_deg_body(dst_hbm, zeros_hbm, ones_hbm, out_hbm, dst_v, ones_v, acc_sh):
    cid = lax.axis_index("c")
    sid = lax.axis_index("s")
    wid = cid * 16 + sid
    pltpu.sync_copy(zeros_hbm.at[pl.ds(sid * N_TROWS, N_TROWS)],
                    acc_sh.at[pl.ds(sid * N_TROWS, N_TROWS)])
    pltpu.sync_copy(ones_hbm, ones_v)
    plsc.subcore_barrier()
    base = wid * E_TILE

    def body(g, carry):
        pltpu.sync_copy(dst_hbm.at[pl.ds(base + g * CH, CH)], dst_v)
        pltpu.sync_copy(ones_v, acc_sh.at[dst_v], add=True)
        return carry

    lax.fori_loop(0, NCH, body, 0)
    plsc.subcore_barrier()
    pltpu.sync_copy(acc_sh.at[pl.ds(sid * N_TROWS, N_TROWS)],
                    out_hbm.at[cid, pl.ds(sid * N_TROWS, N_TROWS)])


def _sc_prop_body(src_hbm, dst_hbm, mp_hbm, zeros_hbm, out_hbm,
                  src_v, dst_v, rows_v, acc_sh, sem_g):
    cid = lax.axis_index("c")
    sid = lax.axis_index("s")
    wid = cid * 16 + sid
    pltpu.sync_copy(zeros_hbm.at[pl.ds(sid * N_TROWS, N_TROWS)],
                    acc_sh.at[pl.ds(sid * N_TROWS, N_TROWS)])
    plsc.subcore_barrier()
    base = wid * E_TILE

    def body(g, carry):
        off = base + g * CH
        pltpu.sync_copy(src_hbm.at[pl.ds(off, CH)], src_v)
        pltpu.async_copy(mp_hbm.at[src_v], rows_v, sem_g).wait()
        pltpu.sync_copy(dst_hbm.at[pl.ds(off, CH)], dst_v)
        pltpu.sync_copy(rows_v, acc_sh.at[dst_v], add=True)
        return carry

    lax.fori_loop(0, NCH, body, 0)
    plsc.subcore_barrier()
    pltpu.sync_copy(acc_sh.at[pl.ds(sid * N_TROWS, N_TROWS)],
                    out_hbm.at[cid, pl.ds(sid * N_TROWS, N_TROWS)])


@functools.lru_cache(maxsize=None)
def _sc_kernels():
    mesh = plsc.VectorSubcoreMesh(core_axis_name="c", subcore_axis_name="s")
    sc_deg = functools.partial(
        pl.kernel,
        mesh=mesh,
        out_type=jax.ShapeDtypeStruct((2, N_PAD, D), jnp.float32),
        scratch_types=[
            pltpu.VMEM((CH,), jnp.int32),
            pltpu.VMEM((CH, D), jnp.float32),
            pltpu.VMEM_SHARED((N_PAD, D), jnp.float32),
        ],
    )(_sc_deg_body)
    sc_prop = functools.partial(
        pl.kernel,
        mesh=mesh,
        out_type=jax.ShapeDtypeStruct((2, N_PAD, D), jnp.float32),
        scratch_types=[
            pltpu.VMEM((CH,), jnp.int32),
            pltpu.VMEM((CH,), jnp.int32),
            pltpu.VMEM((CH, D), jnp.float32),
            pltpu.VMEM_SHARED((N_PAD, D), jnp.float32),
            pltpu.SemaphoreType.DMA,
        ],
    )(_sc_prop_body)
    return sc_deg, sc_prop



def _onehot_t(b3_ref):
    b = b3_ref[0]
    return (lax.broadcasted_iota(jnp.int32, (G, BLK), 0)
            == jnp.broadcast_to(b, (G, BLK))).astype(jnp.float32)


def _dinv(cp_ref):
    c2 = cp_ref[0] + cp_ref[1]
    return lax.rsqrt(c2[:, 0:1] + 1.0)


def _tc_head_body(x_ref, w1_ref, b1_ref, w0_ref, cp_ref, b3_ref,
                  mp_ref, pool_ref, cnt_ref):
    i = pl.program_id(0)
    t = jnp.maximum(
        jnp.dot(x_ref[...], w1_ref[...], preferred_element_type=jnp.float32)
        + b1_ref[...], 0.0)
    mp_ref[...] = _dinv(cp_ref) * jnp.dot(
        t, w0_ref[...], preferred_element_type=jnp.float32)
    oh = _onehot_t(b3_ref)
    psum = lax.dot_general(oh, t, (((1,), (0,)), ((), ())),
                           preferred_element_type=jnp.float32)
    csum = jnp.broadcast_to(jnp.sum(oh, axis=1, keepdims=True), (G, D))

    @pl.when(i == 0)
    def _():
        pool_ref[...] = psum
        cnt_ref[...] = csum

    @pl.when(i > 0)
    def _():
        pool_ref[...] += psum
        cnt_ref[...] += csum


def _tc_cell_body(s_ref, mp_ref, cp_ref, bp_ref, w_ref, b3_ref,
                  mpo_ref, pool_ref):
    i = pl.program_id(0)
    dinv = _dinv(cp_ref)
    h = jnp.maximum(
        dinv * (s_ref[0] + s_ref[1] + mp_ref[...]) + bp_ref[...], 0.0)
    mpo_ref[...] = dinv * jnp.dot(
        h, w_ref[...], preferred_element_type=jnp.float32)
    psum = lax.dot_general(_onehot_t(b3_ref), h, (((1,), (0,)), ((), ())),
                           preferred_element_type=jnp.float32)

    @pl.when(i == 0)
    def _():
        pool_ref[...] = psum

    @pl.when(i > 0)
    def _():
        pool_ref[...] += psum


def _tc_tail_body(s_ref, mp_ref, cp_ref, bp_ref, b3_ref,
                  p0_ref, p1_ref, p2_ref, cg_ref, att_ref,
                  cw1_ref, cb1_ref, cw2_ref, cb2_ref,
                  out_ref, pacc):
    i = pl.program_id(0)
    h = jnp.maximum(
        _dinv(cp_ref) * (s_ref[0] + s_ref[1] + mp_ref[...]) + bp_ref[...],
        0.0)
    psum = lax.dot_general(_onehot_t(b3_ref), h, (((1,), (0,)), ((), ())),
                           preferred_element_type=jnp.float32)

    @pl.when(i == 0)
    def _():
        pacc[...] = psum

    @pl.when(i > 0)
    def _():
        pacc[...] += psum

    @pl.when(i == NBLK - 1)
    def _():
        cg = jnp.maximum(cg_ref[...], 1.0)
        r = (att_ref[0, 0] * p0_ref[...] + att_ref[0, 1] * p1_ref[...]
             + att_ref[0, 2] * p2_ref[...] + att_ref[0, 3] * pacc[...]) / cg
        s1 = jnp.maximum(
            jnp.dot(r, cw1_ref[...], preferred_element_type=jnp.float32)
            + cb1_ref[...], 0.0)
        sc = jnp.dot(s1, cw2_ref[...],
                     preferred_element_type=jnp.float32) + cb2_ref[...]
        msk = lax.broadcasted_iota(jnp.int32, (G, D), 1) < NCLS
        m = jnp.max(jnp.where(msk, sc, -1e30), axis=1, keepdims=True)
        e = jnp.where(msk, jnp.exp(sc - m), 0.0)
        lse = jnp.log(jnp.sum(e, axis=1, keepdims=True)) + m
        out_ref[...] = sc - lse


_full = pl.BlockSpec((D, D), lambda i: (0, 0))
_bias = pl.BlockSpec((1, D), lambda i: (0, 0))
_rows = pl.BlockSpec((BLK, D), lambda i: (i, 0))
_parts = pl.BlockSpec((2, BLK, D), lambda i: (0, i, 0))
_cnts = pl.BlockSpec((2, BLK, D), lambda i: (0, i, 0))
_batch = pl.BlockSpec((1, 1, BLK), lambda i: (i, 0, 0))
_gout = pl.BlockSpec((G, D), lambda i: (0, 0))
_smem = pl.BlockSpec(memory_space=pltpu.SMEM)

_tc_head = pl.pallas_call(
    _tc_head_body,
    grid=(NBLK,),
    in_specs=[_rows, _full, _bias, _full, _cnts, _batch],
    out_specs=[_rows, _gout, _gout],
    out_shape=[
        jax.ShapeDtypeStruct((N_PAD, D), jnp.float32),
        jax.ShapeDtypeStruct((G, D), jnp.float32),
        jax.ShapeDtypeStruct((G, D), jnp.float32),
    ],
)

_tc_cell = pl.pallas_call(
    _tc_cell_body,
    grid=(NBLK,),
    in_specs=[_parts, _rows, _cnts, _bias, _full, _batch],
    out_specs=[_rows, _gout],
    out_shape=[
        jax.ShapeDtypeStruct((N_PAD, D), jnp.float32),
        jax.ShapeDtypeStruct((G, D), jnp.float32),
    ],
)

_tc_tail = pl.pallas_call(
    _tc_tail_body,
    grid=(NBLK,),
    in_specs=[_parts, _rows, _cnts, _bias, _batch,
              _gout, _gout, _gout, _gout, _smem,
              _full, _bias, _full, _bias],
    out_specs=pl.BlockSpec((G, D), lambda i: (0, 0)),
    out_shape=jax.ShapeDtypeStruct((G, D), jnp.float32),
    scratch_shapes=[pltpu.VMEM((G, D), jnp.float32)],
)


def kernel(x, edge_index, batch, lin1_W, lin1_b, conv_W0, conv_b0,
           conv_W1, conv_b1, conv_W2, conv_b2, attention,
           cls_W1, cls_b1, cls_W2, cls_b2):
    f32 = jnp.float32
    src = edge_index[0].astype(jnp.int32)
    dst = edge_index[1].astype(jnp.int32)
    pad_e = E_PAD - E
    src_p = jnp.concatenate([src, jnp.zeros((pad_e,), jnp.int32)])
    dst_p = jnp.concatenate(
        [dst, DUMMY + (jnp.arange(pad_e, dtype=jnp.int32) % (N_PAD - DUMMY))])
    x_p = jnp.concatenate(
        [x.astype(f32), jnp.zeros((N_PAD - N_NODES, D), f32)], axis=0)
    batch3 = jnp.concatenate(
        [batch.astype(jnp.int32), jnp.full((N_PAD - N_NODES,), G, jnp.int32)]
    ).reshape(NBLK, 1, BLK)
    zeros_w = jnp.zeros((N_PAD, D), f32)
    ones_w = jnp.ones((CH, D), f32)

    _sc_deg, _sc_prop = _sc_kernels()
    cnt_parts = _sc_deg(dst_p, zeros_w, ones_w)
    mp0, pool0, cntg = _tc_head(x_p, lin1_W, lin1_b.reshape(1, D), conv_W0,
                                cnt_parts, batch3)
    s0 = _sc_prop(src_p, dst_p, mp0, zeros_w)
    mp1, pool1 = _tc_cell(s0, mp0, cnt_parts, conv_b0.reshape(1, D),
                          conv_W1, batch3)
    s1 = _sc_prop(src_p, dst_p, mp1, zeros_w)
    mp2, pool2 = _tc_cell(s1, mp1, cnt_parts, conv_b1.reshape(1, D),
                          conv_W2, batch3)
    s2 = _sc_prop(src_p, dst_p, mp2, zeros_w)
    cw2p = jnp.concatenate([cls_W2, jnp.zeros((D, D - NCLS), f32)], axis=1)
    cb2p = jnp.concatenate([cls_b2, jnp.zeros((D - NCLS,), f32)]).reshape(1, D)
    out = _tc_tail(s2, mp2, cnt_parts, conv_b2.reshape(1, D), batch3,
                   pool0, pool1, pool2, cntg, attention.reshape(1, 4),
                   cls_W1, cls_b1.reshape(1, D), cw2p, cb2p)
    return out[:, :NCLS]

# --- scband reference (transcript-rebuilt; emitter-appended) ---
"""Pipeline reference for scband-gnn-model-38981123178599 (READ-ONLY COPY).

The authoritative reference and input builder live on the scoring server;
editing this copy changes nothing except your own understanding.
"""

import jax, jax.numpy as jnp
import numpy as np

N_NODES = 10000
N_EDGES = 320000
D_FEAT = 128
HIDDEN = 128
NUM_CLASSES = 10
NUM_GRAPHS = 64
CELLS = 3


def setup_inputs(seed: int = 0) -> dict:
    key = jax.random.key(seed)
    ks = jax.random.split(key, 20)
    inp = {}
    inp["x"] = jax.random.normal(ks[0], (N_NODES, D_FEAT), dtype=jnp.float32)
    inp["edge_index"] = jax.random.randint(ks[1], (2, N_EDGES), 0, N_NODES, dtype=jnp.int64)
    inp["batch"] = jnp.sort(jax.random.randint(ks[2], (N_NODES,), 0, NUM_GRAPHS, dtype=jnp.int64))
    s = 1.0 / np.sqrt(HIDDEN)
    inp["lin1_W"] = jax.random.normal(ks[3], (D_FEAT, HIDDEN), dtype=jnp.float32) * s
    inp["lin1_b"] = jnp.zeros((HIDDEN,), dtype=jnp.float32)
    for i in range(CELLS):
        inp[f"conv_W{i}"] = jax.random.normal(ks[4 + 2 * i], (HIDDEN, HIDDEN), dtype=jnp.float32) * s
        inp[f"conv_b{i}"] = jnp.zeros((HIDDEN,), dtype=jnp.float32)
    inp["attention"] = jax.random.uniform(ks[12], (CELLS + 1,), dtype=jnp.float32, minval=-1.0, maxval=1.0)
    inp["cls_W1"] = jax.random.normal(ks[13], (HIDDEN, HIDDEN), dtype=jnp.float32) * s
    inp["cls_b1"] = jnp.zeros((HIDDEN,), dtype=jnp.float32)
    inp["cls_W2"] = jax.random.normal(ks[14], (HIDDEN, NUM_CLASSES), dtype=jnp.float32) * s
    inp["cls_b2"] = jnp.zeros((NUM_CLASSES,), dtype=jnp.float32)
    return inp


def _gcn_conv(x, src, dst, W, b, num_nodes):
    # GCNConv with added self-loops and symmetric normalization, edge_weight = 1
    loop = jnp.arange(num_nodes, dtype=src.dtype)
    s = jnp.concatenate([src, loop])
    d = jnp.concatenate([dst, loop])
    ew = jnp.ones(s.shape[0], dtype=x.dtype)
    deg = jnp.zeros((num_nodes,), dtype=x.dtype).at[d].add(ew)
    dinv = jnp.where(deg > 0, 1.0 / jnp.sqrt(deg), 0.0)
    norm = dinv[s] * ew * dinv[d]
    h = x @ W
    out = jnp.zeros((num_nodes, h.shape[1]), dtype=x.dtype).at[d].add(h[s] * norm[:, None])
    return out + b


def _global_mean_pool(x, batch, num_graphs):
    sums = jax.ops.segment_sum(x, batch, num_segments=num_graphs)
    cnt = jax.ops.segment_sum(jnp.ones((x.shape[0],), dtype=x.dtype), batch, num_segments=num_graphs)
    return sums / jnp.maximum(cnt, 1.0)[:, None]


def reference(x, edge_index, batch, lin1_W, lin1_b, conv_W0, conv_b0, conv_W1, conv_b1, conv_W2, conv_b2, attention, cls_W1, cls_b1, cls_W2, cls_b2):
    src, dst = edge_index[0], edge_index[1]
    n = x.shape[0]
    h = jax.nn.relu(x @ lin1_W + lin1_b)
    reprs = [_global_mean_pool(h, batch, NUM_GRAPHS)]
    # dropout p=0.0 / eval mode -> identity
    for W, b in ((conv_W0, conv_b0), (conv_W1, conv_b1), (conv_W2, conv_b2)):
        h = jax.nn.relu(_gcn_conv(h, src, dst, W, b, n))
        reprs.append(_global_mean_pool(h, batch, NUM_GRAPHS))
    reprs = jnp.stack(reprs, axis=-1)  # [G, H, cells+1]
    r = reprs @ attention  # att_mlp post-processing -> [G, H]
    scores = jax.nn.relu(r @ cls_W1 + cls_b1) @ cls_W2 + cls_b2
    return jax.nn.log_softmax(scores, axis=-1)

if __name__ == "__main__":
    import jax
    _d = setup_inputs()
    print(jax.jit(kernel)(*tuple(_d.values())))

</pallas_src>

<mosaic_0001>
#map = affine_map<(d0, d1) -> (0)>
#map1 = affine_map<(d0, d1) -> (0, 0)>
#map2 = affine_map<(d0, d1) -> (0, 0, 0)>
module attributes {stable_mosaic.version = 14 : i64} {
  func.func @_sc_prop_body(%arg0: i32, %arg1: i32, %arg2: memref<323584xi32, #tpu.memory_space<hbm>>, %arg3: memref<323584xi32, #tpu.memory_space<hbm>>, %arg4: memref<10240x128xf32, #tpu.memory_space<hbm>>, %arg5: memref<10240x128xf32, #tpu.memory_space<hbm>>, %arg6: memref<2x10240x128xf32, #tpu.memory_space<hbm>>, %arg7: memref<128xi32, #tpu.memory_space<vmem>>, %arg8: memref<128xi32, #tpu.memory_space<vmem>>, %arg9: memref<128x128xf32, #tpu.memory_space<vmem>>, %arg10: memref<10240x128xf32, #tpu.memory_space<vmem_shared>>, %arg11: memref<!tpu.dma_semaphore, #tpu.memory_space<semaphore_mem>>) attributes {dimension_semantics = [#tpu.dimension_semantics<core_parallel>, #tpu.dimension_semantics<subcore_parallel>], iteration_bounds = array<i64: 2, 16>, scalar_prefetch = 0 : i64, scratch_operands = 5 : i64, tpu.core_type = #tpu.core_type<sc_vector_subcore>, window_params = [{transform_indices = #map}, {transform_indices = #map}, {transform_indices = #map1}, {transform_indices = #map1}, {transform_indices = #map2}]} {
    %mul3A = arith.constant 16 : i32
    %mul3A_0 = arith.muli %arg0, %mul3A : i32
    %add3A = arith.addi %mul3A_0, %arg1 : i32
    %mul3A_1 = arith.constant 640 : i32
    %mul3A_2 = arith.muli %arg1, %mul3A_1 : i32
    %mul3A_3 = arith.constant 640 : i32
    %mul3A_4 = arith.muli %arg1, %mul3A_3 : i32
    "tpu.region"() ({
      %run_scoped3A = tpu.sem_alloc : memref<!tpu.dma_semaphore, #tpu.memory_space<semaphore_mem>>
      %dma_start3A = arith.constant 0 : i32
      %dma_start3A_17 = tpu.memref_slice %arg10[%mul3A_4, %dma_start3A] : memref<10240x128xf32, #tpu.memory_space<vmem_shared>> -> memref<640x128xf32, #tpu.memory_space<vmem_shared>>
      %dma_start3A_18 = arith.constant 0 : i32
      %dma_start3A_19 = tpu.memref_slice %arg5[%mul3A_2, %dma_start3A_18] : memref<10240x128xf32, #tpu.memory_space<hbm>> -> memref<640x128xf32, #tpu.memory_space<hbm>>
      tpu.enqueue_dma source(%dma_start3A_19 : memref<640x128xf32, #tpu.memory_space<hbm>>) target(%dma_start3A_17 : memref<640x128xf32, #tpu.memory_space<vmem_shared>>) target_semaphore(%run_scoped3A : memref<!tpu.dma_semaphore, #tpu.memory_space<semaphore_mem>>)
      %dma_wait3A = arith.constant 0 : i32
      %dma_wait3A_20 = tpu.memref_slice %arg10[%mul3A_4, %dma_wait3A] : memref<10240x128xf32, #tpu.memory_space<vmem_shared>> -> memref<640x128xf32, #tpu.memory_space<vmem_shared>>
      %dma_wait3A_21 = arith.constant 0 : i32
      %dma_wait3A_22 = tpu.memref_slice %arg5[%mul3A_2, %dma_wait3A_21] : memref<10240x128xf32, #tpu.memory_space<hbm>> -> memref<640x128xf32, #tpu.memory_space<hbm>>
      tpu.wait_dma2 semaphore(%run_scoped3A : memref<!tpu.dma_semaphore, #tpu.memory_space<semaphore_mem>>) src(%dma_wait3A_22 : memref<640x128xf32, #tpu.memory_space<hbm>>) dst(%dma_wait3A_20 : memref<640x128xf32, #tpu.memory_space<vmem_shared>>)
      tpu.yield
    }) : () -> ()
    %barrier3A = arith.constant 0 : index
    tpu.barrier barrier_id(%barrier3A)
    %mul3A_5 = arith.constant 10112 : i32
    %mul3A_6 = arith.muli %add3A, %mul3A_5 : i32
    %scan3A = arith.constant 0 : i32
    %scan3A_7 = arith.constant 0 : i32
    %scan3A_8 = arith.constant 79 : i32
    %scan3A_9 = arith.addi %scan3A_7, %scan3A_8 : i32
    %scan3A_10 = arith.constant 1 : i32
    scf.for %scan3A_17 = %scan3A_7 to %scan3A_9 step %scan3A_10  : i32 {
      %mul3A_18 = arith.constant 128 : i32
      %mul3A_19 = arith.muli %scan3A_17, %mul3A_18 : i32
      %add3A_20 = arith.addi %mul3A_6, %mul3A_19 : i32
      "tpu.region"() ({
        %run_scoped3A = tpu.sem_alloc : memref<!tpu.dma_semaphore, #tpu.memory_space<semaphore_mem>>
        %dma_start3A_25 = tpu.memref_slice %arg2[%add3A_20] : memref<323584xi32, #tpu.memory_space<hbm>> -> memref<128xi32, #tpu.memory_space<hbm>>
        %dma_start3A_26 = tpu.memref_slice %arg2[%add3A_20] : memref<323584xi32, #tpu.memory_space<hbm>> -> memref<128xi32, #tpu.memory_space<hbm>>
        tpu.enqueue_dma source(%dma_start3A_26 : memref<128xi32, #tpu.memory_space<hbm>>) target(%arg7 : memref<128xi32, #tpu.memory_space<vmem>>) target_semaphore(%run_scoped3A : memref<!tpu.dma_semaphore, #tpu.memory_space<semaphore_mem>>)
        %dma_wait3A_27 = tpu.memref_slice %arg2[%add3A_20] : memref<323584xi32, #tpu.memory_space<hbm>> -> memref<128xi32, #tpu.memory_space<hbm>>
        %dma_wait3A_28 = tpu.memref_slice %arg2[%add3A_20] : memref<323584xi32, #tpu.memory_space<hbm>> -> memref<128xi32, #tpu.memory_space<hbm>>
        tpu.wait_dma2 semaphore(%run_scoped3A : memref<!tpu.dma_semaphore, #tpu.memory_space<semaphore_mem>>) src(%dma_wait3A_28 : memref<128xi32, #tpu.memory_space<hbm>>) dst(%arg7 : memref<128xi32, #tpu.memory_space<vmem>>)
        tpu.yield
      }) : () -> ()
      %dma_start3A = arith.constant 0 : i32
      %dma_start3A_21 = arith.constant 0 : i32
      %dma_start3A_22 = tpu.memref_slice %arg4[%dma_start3A, %dma_start3A_21] : memref<10240x128xf32, #tpu.memory_space<hbm>> -> memref<10240x128xf32, #tpu.memory_space<hbm>>
      tpu.enqueue_indirect_dma source(%dma_start3A_22 : memref<10240x128xf32, #tpu.memory_space<hbm>>) target(%arg9 : memref<128x128xf32, #tpu.memory_space<vmem>>) offsets(%arg7 : memref<128xi32, #tpu.memory_space<vmem>>) semaphore(%arg11 : memref<!tpu.dma_semaphore, #tpu.memory_space<semaphore_mem>>)
      %dma_wait3A = arith.constant 0 : i32
      %dma_wait3A_23 = arith.constant 0 : i32
      %dma_wait3A_24 = tpu.memref_slice %arg4[%dma_wait3A, %dma_wait3A_23] : memref<10240x128xf32, #tpu.memory_space<hbm>> -> memref<10240x128xf32, #tpu.memory_space<hbm>>
      tpu.wait_indirect_dma semaphore(%arg11 : memref<!tpu.dma_semaphore, #tpu.memory_space<semaphore_mem>>) src(%dma_wait3A_24 : memref<10240x128xf32, #tpu.memory_space<hbm>>) dst(%arg9 : memref<128x128xf32, #tpu.memory_space<vmem>>)
      "tpu.region"() ({
        %run_scoped3A = tpu.sem_alloc : memref<!tpu.dma_semaphore, #tpu.memory_space<semaphore_mem>>
        %dma_start3A_25 = tpu.memref_slice %arg3[%add3A_20] : memref<323584xi32, #tpu.memory_space<hbm>> -> memref<128xi32, #tpu.memory_space<hbm>>
        %dma_start3A_26 = tpu.memref_slice %arg3[%add3A_20] : memref<323584xi32, #tpu.memory_space<hbm>> -> memref<128xi32, #tpu.memory_space<hbm>>
        tpu.enqueue_dma source(%dma_start3A_26 : memref<128xi32, #tpu.memory_space<hbm>>) target(%arg8 : memref<128xi32, #tpu.memory_space<vmem>>) target_semaphore(%run_scoped3A : memref<!tpu.dma_semaphore, #tpu.memory_space<semaphore_mem>>)
        %dma_wait3A_27 = tpu.memref_slice %arg3[%add3A_20] : memref<323584xi32, #tpu.memory_space<hbm>> -> memref<128xi32, #tpu.memory_space<hbm>>
        %dma_wait3A_28 = tpu.memref_slice %arg3[%add3A_20] : memref<323584xi32, #tpu.memory_space<hbm>> -> memref<128xi32, #tpu.memory_space<hbm>>
        tpu.wait_dma2 semaphore(%run_scoped3A : memref<!tpu.dma_semaphore, #tpu.memory_space<semaphore_mem>>) src(%dma_wait3A_28 : memref<128xi32, #tpu.memory_space<hbm>>) dst(%arg8 : memref<128xi32, #tpu.memory_space<vmem>>)
        tpu.yield
      }) : () -> ()
      "tpu.region"() ({
        %run_scoped3A = tpu.sem_alloc : memref<!tpu.dma_semaphore, #tpu.memory_space<semaphore_mem>>
        %dma_start3A_25 = arith.constant 0 : i32
        %dma_start3A_26 = arith.constant 0 : i32
        %dma_start3A_27 = tpu.memref_slice %arg10[%dma_start3A_25, %dma_start3A_26] : memref<10240x128xf32, #tpu.memory_space<vmem_shared>> -> memref<10240x128xf32, #tpu.memory_space<vmem_shared>>
        tpu.enqueue_indirect_dma source(%arg9 : memref<128x128xf32, #tpu.memory_space<vmem>>) target(%dma_start3A_27 : memref<10240x128xf32, #tpu.memory_space<vmem_shared>>) offsets(%arg8 : memref<128xi32, #tpu.memory_space<vmem>>) semaphore(%run_scoped3A : memref<!tpu.dma_semaphore, #tpu.memory_space<semaphore_mem>>) {add = true}
        %dma_wait3A_28 = arith.constant 0 : i32
        %dma_wait3A_29 = arith.constant 0 : i32
        %dma_wait3A_30 = tpu.memref_slice %arg10[%dma_wait3A_28, %dma_wait3A_29] : memref<10240x128xf32, #tpu.memory_space<vmem_shared>> -> memref<10240x128xf32, #tpu.memory_space<vmem_shared>>
        tpu.wait_indirect_dma semaphore(%run_scoped3A : memref<!tpu.dma_semaphore, #tpu.memory_space<semaphore_mem>>) src(%arg9 : memref<128x128xf32, #tpu.memory_space<vmem>>) dst(%dma_wait3A_30 : memref<10240x128xf32, #tpu.memory_space<vmem_shared>>)
        tpu.yield
      }) : () -> ()
    }
    %scan3A_11 = arith.constant 79 : i32
    %barrier3A_12 = arith.constant 0 : index
    tpu.barrier barrier_id(%barrier3A_12)
    %mul3A_13 = arith.constant 640 : i32
    %mul3A_14 = arith.muli %arg1, %mul3A_13 : i32
    %mul3A_15 = arith.constant 640 : i32
    %mul3A_16 = arith.muli %arg1, %mul3A_15 : i32
    "tpu.region"() ({
      %run_scoped3A = tpu.sem_alloc : memref<!tpu.dma_semaphore, #tpu.memory_space<semaphore_mem>>
      %dma_start3A = arith.constant 0 : i32
      %dma_start3A_17 = tpu.memref_slice %arg6[%arg0, %mul3A_16, %dma_start3A] : memref<2x10240x128xf32, #tpu.memory_space<hbm>> -> memref<1x640x128xf32, #tpu.memory_space<hbm>>
      %dma_start3A_18 = tpu.memref_squeeze %dma_start3A_17 : memref<1x640x128xf32, #tpu.memory_space<hbm>> -> memref<640x128xf32, #tpu.memory_space<hbm>>
      %dma_start3A_19 = arith.constant 0 : i32
      %dma_start3A_20 = tpu.memref_slice %arg10[%mul3A_14, %dma_start3A_19] : memref<10240x128xf32, #tpu.memory_space<vmem_shared>> -> memref<640x128xf32, #tpu.memory_space<vmem_shared>>
      tpu.enqueue_dma source(%dma_start3A_20 : memref<640x128xf32, #tpu.memory_space<vmem_shared>>) target(%dma_start3A_18 : memref<640x128xf32, #tpu.memory_space<hbm>>) target_semaphore(%run_scoped3A : memref<!tpu.dma_semaphore, #tpu.memory_space<semaphore_mem>>)
      %dma_wait3A = arith.constant 0 : i32
      %dma_wait3A_21 = tpu.memref_slice %arg6[%arg0, %mul3A_16, %dma_wait3A] : memref<2x10240x128xf32, #tpu.memory_space<hbm>> -> memref<1x640x128xf32, #tpu.memory_space<hbm>>
      %dma_wait3A_22 = tpu.memref_squeeze %dma_wait3A_21 : memref<1x640x128xf32, #tpu.memory_space<hbm>> -> memref<640x128xf32, #tpu.memory_space<hbm>>
      %dma_wait3A_23 = arith.constant 0 : i32
      %dma_wait3A_24 = tpu.memref_slice %arg10[%mul3A_14, %dma_wait3A_23] : memref<10240x128xf32, #tpu.memory_space<vmem_shared>> -> memref<640x128xf32, #tpu.memory_space<vmem_shared>>
      tpu.wait_dma2 semaphore(%run_scoped3A : memref<!tpu.dma_semaphore, #tpu.memory_space<semaphore_mem>>) src(%dma_wait3A_24 : memref<640x128xf32, #tpu.memory_space<vmem_shared>>) dst(%dma_wait3A_22 : memref<640x128xf32, #tpu.memory_space<hbm>>)
      tpu.yield
    }) : () -> ()
    return
  }
}

#map = affine_map<(d0, d1) -> (0)>
#map1 = affine_map<(d0, d1) -> (0, 0)>
#map2 = affine_map<(d0, d1) -> (0, 0, 0)>
module attributes {stable_mosaic.version = 14 : i64} {
  func.func @_sc_deg_body(%arg0: i32, %arg1: i32, %arg2: memref<323584xi32, #tpu.memory_space<hbm>>, %arg3: memref<10240x128xf32, #tpu.memory_space<hbm>>, %arg4: memref<128x128xf32, #tpu.memory_space<hbm>>, %arg5: memref<2x10240x128xf32, #tpu.memory_space<hbm>>, %arg6: memref<128xi32, #tpu.memory_space<vmem>>, %arg7: memref<128x128xf32, #tpu.memory_space<vmem>>, %arg8: memref<10240x128xf32, #tpu.memory_space<vmem_shared>>) attributes {dimension_semantics = [#tpu.dimension_semantics<core_parallel>, #tpu.dimension_semantics<subcore_parallel>], iteration_bounds = array<i64: 2, 16>, scalar_prefetch = 0 : i64, scratch_operands = 3 : i64, tpu.core_type = #tpu.core_type<sc_vector_subcore>, window_params = [{transform_indices = #map}, {transform_indices = #map1}, {transform_indices = #map1}, {transform_indices = #map2}]} {
    %mul3A = arith.constant 16 : i32
    %mul3A_0 = arith.muli %arg0, %mul3A : i32
    %add3A = arith.addi %mul3A_0, %arg1 : i32
    %mul3A_1 = arith.constant 640 : i32
    %mul3A_2 = arith.muli %arg1, %mul3A_1 : i32
    %mul3A_3 = arith.constant 640 : i32
    %mul3A_4 = arith.muli %arg1, %mul3A_3 : i32
    "tpu.region"() ({
      %run_scoped3A = tpu.sem_alloc : memref<!tpu.dma_semaphore, #tpu.memory_space<semaphore_mem>>
      %dma_start3A = arith.constant 0 : i32
      %dma_start3A_17 = tpu.memref_slice %arg8[%mul3A_4, %dma_start3A] : memref<10240x128xf32, #tpu.memory_space<vmem_shared>> -> memref<640x128xf32, #tpu.memory_space<vmem_shared>>
      %dma_start3A_18 = arith.constant 0 : i32
      %dma_start3A_19 = tpu.memref_slice %arg3[%mul3A_2, %dma_start3A_18] : memref<10240x128xf32, #tpu.memory_space<hbm>> -> memref<640x128xf32, #tpu.memory_space<hbm>>
      tpu.enqueue_dma source(%dma_start3A_19 : memref<640x128xf32, #tpu.memory_space<hbm>>) target(%dma_start3A_17 : memref<640x128xf32, #tpu.memory_space<vmem_shared>>) target_semaphore(%run_scoped3A : memref<!tpu.dma_semaphore, #tpu.memory_space<semaphore_mem>>)
      %dma_wait3A = arith.constant 0 : i32
      %dma_wait3A_20 = tpu.memref_slice %arg8[%mul3A_4, %dma_wait3A] : memref<10240x128xf32, #tpu.memory_space<vmem_shared>> -> memref<640x128xf32, #tpu.memory_space<vmem_shared>>
      %dma_wait3A_21 = arith.constant 0 : i32
      %dma_wait3A_22 = tpu.memref_slice %arg3[%mul3A_2, %dma_wait3A_21] : memref<10240x128xf32, #tpu.memory_space<hbm>> -> memref<640x128xf32, #tpu.memory_space<hbm>>
      tpu.wait_dma2 semaphore(%run_scoped3A : memref<!tpu.dma_semaphore, #tpu.memory_space<semaphore_mem>>) src(%dma_wait3A_22 : memref<640x128xf32, #tpu.memory_space<hbm>>) dst(%dma_wait3A_20 : memref<640x128xf32, #tpu.memory_space<vmem_shared>>)
      tpu.yield
    }) : () -> ()
    "tpu.region"() ({
      %run_scoped3A = tpu.sem_alloc : memref<!tpu.dma_semaphore, #tpu.memory_space<semaphore_mem>>
      tpu.enqueue_dma source(%arg4 : memref<128x128xf32, #tpu.memory_space<hbm>>) target(%arg7 : memref<128x128xf32, #tpu.memory_space<vmem>>) target_semaphore(%run_scoped3A : memref<!tpu.dma_semaphore, #tpu.memory_space<semaphore_mem>>)
      tpu.wait_dma2 semaphore(%run_scoped3A : memref<!tpu.dma_semaphore, #tpu.memory_space<semaphore_mem>>) src(%arg4 : memref<128x128xf32, #tpu.memory_space<hbm>>) dst(%arg7 : memref<128x128xf32, #tpu.memory_space<vmem>>)
      tpu.yield
    }) : () -> ()
    %barrier3A = arith.constant 0 : index
    tpu.barrier barrier_id(%barrier3A)
    %mul3A_5 = arith.constant 10112 : i32
    %mul3A_6 = arith.muli %add3A, %mul3A_5 : i32
    %scan3A = arith.constant 0 : i32
    %scan3A_7 = arith.constant 0 : i32
    %scan3A_8 = arith.constant 79 : i32
    %scan3A_9 = arith.addi %scan3A_7, %scan3A_8 : i32
    %scan3A_10 = arith.constant 1 : i32
    scf.for %scan3A_17 = %scan3A_7 to %scan3A_9 step %scan3A_10  : i32 {
      %mul3A_18 = arith.constant 128 : i32
      %mul3A_19 = arith.muli %scan3A_17, %mul3A_18 : i32
      %add3A_20 = arith.addi %mul3A_6, %mul3A_19 : i32
      "tpu.region"() ({
        %run_scoped3A = tpu.sem_alloc : memref<!tpu.dma_semaphore, #tpu.memory_space<semaphore_mem>>
        %dma_start3A = tpu.memref_slice %arg2[%add3A_20] : memref<323584xi32, #tpu.memory_space<hbm>> -> memref<128xi32, #tpu.memory_space<hbm>>
        %dma_start3A_21 = tpu.memref_slice %arg2[%add3A_20] : memref<323584xi32, #tpu.memory_space<hbm>> -> memref<128xi32, #tpu.memory_space<hbm>>
        tpu.enqueue_dma source(%dma_start3A_21 : memref<128xi32, #tpu.memory_space<hbm>>) target(%arg6 : memref<128xi32, #tpu.memory_space<vmem>>) target_semaphore(%run_scoped3A : memref<!tpu.dma_semaphore, #tpu.memory_space<semaphore_mem>>)
        %dma_wait3A = tpu.memref_slice %arg2[%add3A_20] : memref<323584xi32, #tpu.memory_space<hbm>> -> memref<128xi32, #tpu.memory_space<hbm>>
        %dma_wait3A_22 = tpu.memref_slice %arg2[%add3A_20] : memref<323584xi32, #tpu.memory_space<hbm>> -> memref<128xi32, #tpu.memory_space<hbm>>
        tpu.wait_dma2 semaphore(%run_scoped3A : memref<!tpu.dma_semaphore, #tpu.memory_space<semaphore_mem>>) src(%dma_wait3A_22 : memref<128xi32, #tpu.memory_space<hbm>>) dst(%arg6 : memref<128xi32, #tpu.memory_space<vmem>>)
        tpu.yield
      }) : () -> ()
      "tpu.region"() ({
        %run_scoped3A = tpu.sem_alloc : memref<!tpu.dma_semaphore, #tpu.memory_space<semaphore_mem>>
        %dma_start3A = arith.constant 0 : i32
        %dma_start3A_21 = arith.constant 0 : i32
        %dma_start3A_22 = tpu.memref_slice %arg8[%dma_start3A, %dma_start3A_21] : memref<10240x128xf32, #tpu.memory_space<vmem_shared>> -> memref<10240x128xf32, #tpu.memory_space<vmem_shared>>
        tpu.enqueue_indirect_dma source(%arg7 : memref<128x128xf32, #tpu.memory_space<vmem>>) target(%dma_start3A_22 : memref<10240x128xf32, #tpu.memory_space<vmem_shared>>) offsets(%arg6 : memref<128xi32, #tpu.memory_space<vmem>>) semaphore(%run_scoped3A : memref<!tpu.dma_semaphore, #tpu.memory_space<semaphore_mem>>) {add = true}
        %dma_wait3A = arith.constant 0 : i32
        %dma_wait3A_23 = arith.constant 0 : i32
        %dma_wait3A_24 = tpu.memref_slice %arg8[%dma_wait3A, %dma_wait3A_23] : memref<10240x128xf32, #tpu.memory_space<vmem_shared>> -> memref<10240x128xf32, #tpu.memory_space<vmem_shared>>
        tpu.wait_indirect_dma semaphore(%run_scoped3A : memref<!tpu.dma_semaphore, #tpu.memory_space<semaphore_mem>>) src(%arg7 : memref<128x128xf32, #tpu.memory_space<vmem>>) dst(%dma_wait3A_24 : memref<10240x128xf32, #tpu.memory_space<vmem_shared>>)
        tpu.yield
      }) : () -> ()
    }
    %scan3A_11 = arith.constant 79 : i32
    %barrier3A_12 = arith.constant 0 : index
    tpu.barrier barrier_id(%barrier3A_12)
    %mul3A_13 = arith.constant 640 : i32
    %mul3A_14 = arith.muli %arg1, %mul3A_13 : i32
    %mul3A_15 = arith.constant 640 : i32
    %mul3A_16 = arith.muli %arg1, %mul3A_15 : i32
    "tpu.region"() ({
      %run_scoped3A = tpu.sem_alloc : memref<!tpu.dma_semaphore, #tpu.memory_space<semaphore_mem>>
      %dma_start3A = arith.constant 0 : i32
      %dma_start3A_17 = tpu.memref_slice %arg5[%arg0, %mul3A_16, %dma_start3A] : memref<2x10240x128xf32, #tpu.memory_space<hbm>> -> memref<1x640x128xf32, #tpu.memory_space<hbm>>
      %dma_start3A_18 = tpu.memref_squeeze %dma_start3A_17 : memref<1x640x128xf32, #tpu.memory_space<hbm>> -> memref<640x128xf32, #tpu.memory_space<hbm>>
      %dma_start3A_19 = arith.constant 0 : i32
      %dma_start3A_20 = tpu.memref_slice %arg8[%mul3A_14, %dma_start3A_19] : memref<10240x128xf32, #tpu.memory_space<vmem_shared>> -> memref<640x128xf32, #tpu.memory_space<vmem_shared>>
      tpu.enqueue_dma source(%dma_start3A_20 : memref<640x128xf32, #tpu.memory_space<vmem_shared>>) target(%dma_start3A_18 : memref<640x128xf32, #tpu.memory_space<hbm>>) target_semaphore(%run_scoped3A : memref<!tpu.dma_semaphore, #tpu.memory_space<semaphore_mem>>)
      %dma_wait3A = arith.constant 0 : i32
      %dma_wait3A_21 = tpu.memref_slice %arg5[%arg0, %mul3A_16, %dma_wait3A] : memref<2x10240x128xf32, #tpu.memory_space<hbm>> -> memref<1x640x128xf32, #tpu.memory_space<hbm>>
      %dma_wait3A_22 = tpu.memref_squeeze %dma_wait3A_21 : memref<1x640x128xf32, #tpu.memory_space<hbm>> -> memref<640x128xf32, #tpu.memory_space<hbm>>
      %dma_wait3A_23 = arith.constant 0 : i32
      %dma_wait3A_24 = tpu.memref_slice %arg8[%mul3A_14, %dma_wait3A_23] : memref<10240x128xf32, #tpu.memory_space<vmem_shared>> -> memref<640x128xf32, #tpu.memory_space<vmem_shared>>
      tpu.wait_dma2 semaphore(%run_scoped3A : memref<!tpu.dma_semaphore, #tpu.memory_space<semaphore_mem>>) src(%dma_wait3A_24 : memref<640x128xf32, #tpu.memory_space<vmem_shared>>) dst(%dma_wait3A_22 : memref<640x128xf32, #tpu.memory_space<hbm>>)
      tpu.yield
    }) : () -> ()
    return
  }
}

#map = affine_map<(d0, d1) -> (0)>
#map1 = affine_map<(d0, d1) -> (0, 0)>
#map2 = affine_map<(d0, d1) -> (0, 0, 0)>
module attributes {stable_mosaic.version = 14 : i64} {
  func.func @_sc_prop_body(%arg0: i32, %arg1: i32, %arg2: memref<323584xi32, #tpu.memory_space<hbm>>, %arg3: memref<323584xi32, #tpu.memory_space<hbm>>, %arg4: memref<10240x128xf32, #tpu.memory_space<hbm>>, %arg5: memref<10240x128xf32, #tpu.memory_space<hbm>>, %arg6: memref<2x10240x128xf32, #tpu.memory_space<hbm>>, %arg7: memref<128xi32, #tpu.memory_space<vmem>>, %arg8: memref<128xi32, #tpu.memory_space<vmem>>, %arg9: memref<128x128xf32, #tpu.memory_space<vmem>>, %arg10: memref<10240x128xf32, #tpu.memory_space<vmem_shared>>, %arg11: memref<!tpu.dma_semaphore, #tpu.memory_space<semaphore_mem>>) attributes {dimension_semantics = [#tpu.dimension_semantics<core_parallel>, #tpu.dimension_semantics<subcore_parallel>], iteration_bounds = array<i64: 2, 16>, scalar_prefetch = 0 : i64, scratch_operands = 5 : i64, tpu.core_type = #tpu.core_type<sc_vector_subcore>, window_params = [{transform_indices = #map}, {transform_indices = #map}, {transform_indices = #map1}, {transform_indices = #map1}, {transform_indices = #map2}]} {
    %mul3A = arith.constant 16 : i32
    %mul3A_0 = arith.muli %arg0, %mul3A : i32
    %add3A = arith.addi %mul3A_0, %arg1 : i32
    %mul3A_1 = arith.constant 640 : i32
    %mul3A_2 = arith.muli %arg1, %mul3A_1 : i32
    %mul3A_3 = arith.constant 640 : i32
    %mul3A_4 = arith.muli %arg1, %mul3A_3 : i32
    "tpu.region"() ({
      %run_scoped3A = tpu.sem_alloc : memref<!tpu.dma_semaphore, #tpu.memory_space<semaphore_mem>>
      %dma_start3A = arith.constant 0 : i32
      %dma_start3A_17 = tpu.memref_slice %arg10[%mul3A_4, %dma_start3A] : memref<10240x128xf32, #tpu.memory_space<vmem_shared>> -> memref<640x128xf32, #tpu.memory_space<vmem_shared>>
      %dma_start3A_18 = arith.constant 0 : i32
      %dma_start3A_19 = tpu.memref_slice %arg5[%mul3A_2, %dma_start3A_18] : memref<10240x128xf32, #tpu.memory_space<hbm>> -> memref<640x128xf32, #tpu.memory_space<hbm>>
      tpu.enqueue_dma source(%dma_start3A_19 : memref<640x128xf32, #tpu.memory_space<hbm>>) target(%dma_start3A_17 : memref<640x128xf32, #tpu.memory_space<vmem_shared>>) target_semaphore(%run_scoped3A : memref<!tpu.dma_semaphore, #tpu.memory_space<semaphore_mem>>)
      %dma_wait3A = arith.constant 0 : i32
      %dma_wait3A_20 = tpu.memref_slice %arg10[%mul3A_4, %dma_wait3A] : memref<10240x128xf32, #tpu.memory_space<vmem_shared>> -> memref<640x128xf32, #tpu.memory_space<vmem_shared>>
      %dma_wait3A_21 = arith.constant 0 : i32
      %dma_wait3A_22 = tpu.memref_slice %arg5[%mul3A_2, %dma_wait3A_21] : memref<10240x128xf32, #tpu.memory_space<hbm>> -> memref<640x128xf32, #tpu.memory_space<hbm>>
      tpu.wait_dma2 semaphore(%run_scoped3A : memref<!tpu.dma_semaphore, #tpu.memory_space<semaphore_mem>>) src(%dma_wait3A_22 : memref<640x128xf32, #tpu.memory_space<hbm>>) dst(%dma_wait3A_20 : memref<640x128xf32, #tpu.memory_space<vmem_shared>>)
      tpu.yield
    }) : () -> ()
    %barrier3A = arith.constant 0 : index
    tpu.barrier barrier_id(%barrier3A)
    %mul3A_5 = arith.constant 10112 : i32
    %mul3A_6 = arith.muli %add3A, %mul3A_5 : i32
    %scan3A = arith.constant 0 : i32
    %scan3A_7 = arith.constant 0 : i32
    %scan3A_8 = arith.constant 79 : i32
    %scan3A_9 = arith.addi %scan3A_7, %scan3A_8 : i32
    %scan3A_10 = arith.constant 1 : i32
    scf.for %scan3A_17 = %scan3A_7 to %scan3A_9 step %scan3A_10  : i32 {
      %mul3A_18 = arith.constant 128 : i32
      %mul3A_19 = arith.muli %scan3A_17, %mul3A_18 : i32
      %add3A_20 = arith.addi %mul3A_6, %mul3A_19 : i32
      "tpu.region"() ({
        %run_scoped3A = tpu.sem_alloc : memref<!tpu.dma_semaphore, #tpu.memory_space<semaphore_mem>>
        %dma_start3A_25 = tpu.memref_slice %arg2[%add3A_20] : memref<323584xi32, #tpu.memory_space<hbm>> -> memref<128xi32, #tpu.memory_space<hbm>>
        %dma_start3A_26 = tpu.memref_slice %arg2[%add3A_20] : memref<323584xi32, #tpu.memory_space<hbm>> -> memref<128xi32, #tpu.memory_space<hbm>>
        tpu.enqueue_dma source(%dma_start3A_26 : memref<128xi32, #tpu.memory_space<hbm>>) target(%arg7 : memref<128xi32, #tpu.memory_space<vmem>>) target_semaphore(%run_scoped3A : memref<!tpu.dma_semaphore, #tpu.memory_space<semaphore_mem>>)
        %dma_wait3A_27 = tpu.memref_slice %arg2[%add3A_20] : memref<323584xi32, #tpu.memory_space<hbm>> -> memref<128xi32, #tpu.memory_space<hbm>>
        %dma_wait3A_28 = tpu.memref_slice %arg2[%add3A_20] : memref<323584xi32, #tpu.memory_space<hbm>> -> memref<128xi32, #tpu.memory_space<hbm>>
        tpu.wait_dma2 semaphore(%run_scoped3A : memref<!tpu.dma_semaphore, #tpu.memory_space<semaphore_mem>>) src(%dma_wait3A_28 : memref<128xi32, #tpu.memory_space<hbm>>) dst(%arg7 : memref<128xi32, #tpu.memory_space<vmem>>)
        tpu.yield
      }) : () -> ()
      %dma_start3A = arith.constant 0 : i32
      %dma_start3A_21 = arith.constant 0 : i32
      %dma_start3A_22 = tpu.memref_slice %arg4[%dma_start3A, %dma_start3A_21] : memref<10240x128xf32, #tpu.memory_space<hbm>> -> memref<10240x128xf32, #tpu.memory_space<hbm>>
      tpu.enqueue_indirect_dma source(%dma_start3A_22 : memref<10240x128xf32, #tpu.memory_space<hbm>>) target(%arg9 : memref<128x128xf32, #tpu.memory_space<vmem>>) offsets(%arg7 : memref<128xi32, #tpu.memory_space<vmem>>) semaphore(%arg11 : memref<!tpu.dma_semaphore, #tpu.memory_space<semaphore_mem>>)
      %dma_wait3A = arith.constant 0 : i32
      %dma_wait3A_23 = arith.constant 0 : i32
      %dma_wait3A_24 = tpu.memref_slice %arg4[%dma_wait3A, %dma_wait3A_23] : memref<10240x128xf32, #tpu.memory_space<hbm>> -> memref<10240x128xf32, #tpu.memory_space<hbm>>
      tpu.wait_indirect_dma semaphore(%arg11 : memref<!tpu.dma_semaphore, #tpu.memory_space<semaphore_mem>>) src(%dma_wait3A_24 : memref<10240x128xf32, #tpu.memory_space<hbm>>) dst(%arg9 : memref<128x128xf32, #tpu.memory_space<vmem>>)
      "tpu.region"() ({
        %run_scoped3A = tpu.sem_alloc : memref<!tpu.dma_semaphore, #tpu.memory_space<semaphore_mem>>
        %dma_start3A_25 = tpu.memref_slice %arg3[%add3A_20] : memref<323584xi32, #tpu.memory_space<hbm>> -> memref<128xi32, #tpu.memory_space<hbm>>
        %dma_start3A_26 = tpu.memref_slice %arg3[%add3A_20] : memref<323584xi32, #tpu.memory_space<hbm>> -> memref<128xi32, #tpu.memory_space<hbm>>
        tpu.enqueue_dma source(%dma_start3A_26 : memref<128xi32, #tpu.memory_space<hbm>>) target(%arg8 : memref<128xi32, #tpu.memory_space<vmem>>) target_semaphore(%run_scoped3A : memref<!tpu.dma_semaphore, #tpu.memory_space<semaphore_mem>>)
        %dma_wait3A_27 = tpu.memref_slice %arg3[%add3A_20] : memref<323584xi32, #tpu.memory_space<hbm>> -> memref<128xi32, #tpu.memory_space<hbm>>
        %dma_wait3A_28 = tpu.memref_slice %arg3[%add3A_20] : memref<323584xi32, #tpu.memory_space<hbm>> -> memref<128xi32, #tpu.memory_space<hbm>>
        tpu.wait_dma2 semaphore(%run_scoped3A : memref<!tpu.dma_semaphore, #tpu.memory_space<semaphore_mem>>) src(%dma_wait3A_28 : memref<128xi32, #tpu.memory_space<hbm>>) dst(%arg8 : memref<128xi32, #tpu.memory_space<vmem>>)
        tpu.yield
      }) : () -> ()
      "tpu.region"() ({
        %run_scoped3A = tpu.sem_alloc : memref<!tpu.dma_semaphore, #tpu.memory_space<semaphore_mem>>
        %dma_start3A_25 = arith.constant 0 : i32
        %dma_start3A_26 = arith.constant 0 : i32
        %dma_start3A_27 = tpu.memref_slice %arg10[%dma_start3A_25, %dma_start3A_26] : memref<10240x128xf32, #tpu.memory_space<vmem_shared>> -> memref<10240x128xf32, #tpu.memory_space<vmem_shared>>
        tpu.enqueue_indirect_dma source(%arg9 : memref<128x128xf32, #tpu.memory_space<vmem>>) target(%dma_start3A_27 : memref<10240x128xf32, #tpu.memory_space<vmem_shared>>) offsets(%arg8 : memref<128xi32, #tpu.memory_space<vmem>>) semaphore(%run_scoped3A : memref<!tpu.dma_semaphore, #tpu.memory_space<semaphore_mem>>) {add = true}
        %dma_wait3A_28 = arith.constant 0 : i32
        %dma_wait3A_29 = arith.constant 0 : i32
        %dma_wait3A_30 = tpu.memref_slice %arg10[%dma_wait3A_28, %dma_wait3A_29] : memref<10240x128xf32, #tpu.memory_space<vmem_shared>> -> memref<10240x128xf32, #tpu.memory_space<vmem_shared>>
        tpu.wait_indirect_dma semaphore(%run_scoped3A : memref<!tpu.dma_semaphore, #tpu.memory_space<semaphore_mem>>) src(%arg9 : memref<128x128xf32, #tpu.memory_space<vmem>>) dst(%dma_wait3A_30 : memref<10240x128xf32, #tpu.memory_space<vmem_shared>>)
        tpu.yield
      }) : () -> ()
    }
    %scan3A_11 = arith.constant 79 : i32
    %barrier3A_12 = arith.constant 0 : index
    tpu.barrier barrier_id(%barrier3A_12)
    %mul3A_13 = arith.constant 640 : i32
    %mul3A_14 = arith.muli %arg1, %mul3A_13 : i32
    %mul3A_15 = arith.constant 640 : i32
    %mul3A_16 = arith.muli %arg1, %mul3A_15 : i32
    "tpu.region"() ({
      %run_scoped3A = tpu.sem_alloc : memref<!tpu.dma_semaphore, #tpu.memory_space<semaphore_mem>>
      %dma_start3A = arith.constant 0 : i32
      %dma_start3A_17 = tpu.memref_slice %arg6[%arg0, %mul3A_16, %dma_start3A] : memref<2x10240x128xf32, #tpu.memory_space<hbm>> -> memref<1x640x128xf32, #tpu.memory_space<hbm>>
      %dma_start3A_18 = tpu.memref_squeeze %dma_start3A_17 : memref<1x640x128xf32, #tpu.memory_space<hbm>> -> memref<640x128xf32, #tpu.memory_space<hbm>>
      %dma_start3A_19 = arith.constant 0 : i32
      %dma_start3A_20 = tpu.memref_slice %arg10[%mul3A_14, %dma_start3A_19] : memref<10240x128xf32, #tpu.memory_space<vmem_shared>> -> memref<640x128xf32, #tpu.memory_space<vmem_shared>>
      tpu.enqueue_dma source(%dma_start3A_20 : memref<640x128xf32, #tpu.memory_space<vmem_shared>>) target(%dma_start3A_18 : memref<640x128xf32, #tpu.memory_space<hbm>>) target_semaphore(%run_scoped3A : memref<!tpu.dma_semaphore, #tpu.memory_space<semaphore_mem>>)
      %dma_wait3A = arith.constant 0 : i32
      %dma_wait3A_21 = tpu.memref_slice %arg6[%arg0, %mul3A_16, %dma_wait3A] : memref<2x10240x128xf32, #tpu.memory_space<hbm>> -> memref<1x640x128xf32, #tpu.memory_space<hbm>>
      %dma_wait3A_22 = tpu.memref_squeeze %dma_wait3A_21 : memref<1x640x128xf32, #tpu.memory_space<hbm>> -> memref<640x128xf32, #tpu.memory_space<hbm>>
      %dma_wait3A_23 = arith.constant 0 : i32
      %dma_wait3A_24 = tpu.memref_slice %arg10[%mul3A_14, %dma_wait3A_23] : memref<10240x128xf32, #tpu.memory_space<vmem_shared>> -> memref<640x128xf32, #tpu.memory_space<vmem_shared>>
      tpu.wait_dma2 semaphore(%run_scoped3A : memref<!tpu.dma_semaphore, #tpu.memory_space<semaphore_mem>>) src(%dma_wait3A_24 : memref<640x128xf32, #tpu.memory_space<vmem_shared>>) dst(%dma_wait3A_22 : memref<640x128xf32, #tpu.memory_space<hbm>>)
      tpu.yield
    }) : () -> ()
    return
  }
}

#map = affine_map<(d0, d1) -> (0)>
#map1 = affine_map<(d0, d1) -> (0, 0)>
#map2 = affine_map<(d0, d1) -> (0, 0, 0)>
module attributes {stable_mosaic.version = 14 : i64} {
  func.func @_sc_prop_body(%arg0: i32, %arg1: i32, %arg2: memref<323584xi32, #tpu.memory_space<hbm>>, %arg3: memref<323584xi32, #tpu.memory_space<hbm>>, %arg4: memref<10240x128xf32, #tpu.memory_space<hbm>>, %arg5: memref<10240x128xf32, #tpu.memory_space<hbm>>, %arg6: memref<2x10240x128xf32, #tpu.memory_space<hbm>>, %arg7: memref<128xi32, #tpu.memory_space<vmem>>, %arg8: memref<128xi32, #tpu.memory_space<vmem>>, %arg9: memref<128x128xf32, #tpu.memory_space<vmem>>, %arg10: memref<10240x128xf32, #tpu.memory_space<vmem_shared>>, %arg11: memref<!tpu.dma_semaphore, #tpu.memory_space<semaphore_mem>>) attributes {dimension_semantics = [#tpu.dimension_semantics<core_parallel>, #tpu.dimension_semantics<subcore_parallel>], iteration_bounds = array<i64: 2, 16>, scalar_prefetch = 0 : i64, scratch_operands = 5 : i64, tpu.core_type = #tpu.core_type<sc_vector_subcore>, window_params = [{transform_indices = #map}, {transform_indices = #map}, {transform_indices = #map1}, {transform_indices = #map1}, {transform_indices = #map2}]} {
    %mul3A = arith.constant 16 : i32
    %mul3A_0 = arith.muli %arg0, %mul3A : i32
    %add3A = arith.addi %mul3A_0, %arg1 : i32
    %mul3A_1 = arith.constant 640 : i32
    %mul3A_2 = arith.muli %arg1, %mul3A_1 : i32
    %mul3A_3 = arith.constant 640 : i32
    %mul3A_4 = arith.muli %arg1, %mul3A_3 : i32
    "tpu.region"() ({
      %run_scoped3A = tpu.sem_alloc : memref<!tpu.dma_semaphore, #tpu.memory_space<semaphore_mem>>
      %dma_start3A = arith.constant 0 : i32
      %dma_start3A_17 = tpu.memref_slice %arg10[%mul3A_4, %dma_start3A] : memref<10240x128xf32, #tpu.memory_space<vmem_shared>> -> memref<640x128xf32, #tpu.memory_space<vmem_shared>>
      %dma_start3A_18 = arith.constant 0 : i32
      %dma_start3A_19 = tpu.memref_slice %arg5[%mul3A_2, %dma_start3A_18] : memref<10240x128xf32, #tpu.memory_space<hbm>> -> memref<640x128xf32, #tpu.memory_space<hbm>>
      tpu.enqueue_dma source(%dma_start3A_19 : memref<640x128xf32, #tpu.memory_space<hbm>>) target(%dma_start3A_17 : memref<640x128xf32, #tpu.memory_space<vmem_shared>>) target_semaphore(%run_scoped3A : memref<!tpu.dma_semaphore, #tpu.memory_space<semaphore_mem>>)
      %dma_wait3A = arith.constant 0 : i32
      %dma_wait3A_20 = tpu.memref_slice %arg10[%mul3A_4, %dma_wait3A] : memref<10240x128xf32, #tpu.memory_space<vmem_shared>> -> memref<640x128xf32, #tpu.memory_space<vmem_shared>>
      %dma_wait3A_21 = arith.constant 0 : i32
      %dma_wait3A_22 = tpu.memref_slice %arg5[%mul3A_2, %dma_wait3A_21] : memref<10240x128xf32, #tpu.memory_space<hbm>> -> memref<640x128xf32, #tpu.memory_space<hbm>>
      tpu.wait_dma2 semaphore(%run_scoped3A : memref<!tpu.dma_semaphore, #tpu.memory_space<semaphore_mem>>) src(%dma_wait3A_22 : memref<640x128xf32, #tpu.memory_space<hbm>>) dst(%dma_wait3A_20 : memref<640x128xf32, #tpu.memory_space<vmem_shared>>)
      tpu.yield
    }) : () -> ()
    %barrier3A = arith.constant 0 : index
    tpu.barrier barrier_id(%barrier3A)
    %mul3A_5 = arith.constant 10112 : i32
    %mul3A_6 = arith.muli %add3A, %mul3A_5 : i32
    %scan3A = arith.constant 0 : i32
    %scan3A_7 = arith.constant 0 : i32
    %scan3A_8 = arith.constant 79 : i32
    %scan3A_9 = arith.addi %scan3A_7, %scan3A_8 : i32
    %scan3A_10 = arith.constant 1 : i32
    scf.for %scan3A_17 = %scan3A_7 to %scan3A_9 step %scan3A_10  : i32 {
      %mul3A_18 = arith.constant 128 : i32
      %mul3A_19 = arith.muli %scan3A_17, %mul3A_18 : i32
      %add3A_20 = arith.addi %mul3A_6, %mul3A_19 : i32
      "tpu.region"() ({
        %run_scoped3A = tpu.sem_alloc : memref<!tpu.dma_semaphore, #tpu.memory_space<semaphore_mem>>
        %dma_start3A_25 = tpu.memref_slice %arg2[%add3A_20] : memref<323584xi32, #tpu.memory_space<hbm>> -> memref<128xi32, #tpu.memory_space<hbm>>
        %dma_start3A_26 = tpu.memref_slice %arg2[%add3A_20] : memref<323584xi32, #tpu.memory_space<hbm>> -> memref<128xi32, #tpu.memory_space<hbm>>
        tpu.enqueue_dma source(%dma_start3A_26 : memref<128xi32, #tpu.memory_space<hbm>>) target(%arg7 : memref<128xi32, #tpu.memory_space<vmem>>) target_semaphore(%run_scoped3A : memref<!tpu.dma_semaphore, #tpu.memory_space<semaphore_mem>>)
        %dma_wait3A_27 = tpu.memref_slice %arg2[%add3A_20] : memref<323584xi32, #tpu.memory_space<hbm>> -> memref<128xi32, #tpu.memory_space<hbm>>
        %dma_wait3A_28 = tpu.memref_slice %arg2[%add3A_20] : memref<323584xi32, #tpu.memory_space<hbm>> -> memref<128xi32, #tpu.memory_space<hbm>>
        tpu.wait_dma2 semaphore(%run_scoped3A : memref<!tpu.dma_semaphore, #tpu.memory_space<semaphore_mem>>) src(%dma_wait3A_28 : memref<128xi32, #tpu.memory_space<hbm>>) dst(%arg7 : memref<128xi32, #tpu.memory_space<vmem>>)
        tpu.yield
      }) : () -> ()
      %dma_start3A = arith.constant 0 : i32
      %dma_start3A_21 = arith.constant 0 : i32
      %dma_start3A_22 = tpu.memref_slice %arg4[%dma_start3A, %dma_start3A_21] : memref<10240x128xf32, #tpu.memory_space<hbm>> -> memref<10240x128xf32, #tpu.memory_space<hbm>>
      tpu.enqueue_indirect_dma source(%dma_start3A_22 : memref<10240x128xf32, #tpu.memory_space<hbm>>) target(%arg9 : memref<128x128xf32, #tpu.memory_space<vmem>>) offsets(%arg7 : memref<128xi32, #tpu.memory_space<vmem>>) semaphore(%arg11 : memref<!tpu.dma_semaphore, #tpu.memory_space<semaphore_mem>>)
      %dma_wait3A = arith.constant 0 : i32
      %dma_wait3A_23 = arith.constant 0 : i32
      %dma_wait3A_24 = tpu.memref_slice %arg4[%dma_wait3A, %dma_wait3A_23] : memref<10240x128xf32, #tpu.memory_space<hbm>> -> memref<10240x128xf32, #tpu.memory_space<hbm>>
      tpu.wait_indirect_dma semaphore(%arg11 : memref<!tpu.dma_semaphore, #tpu.memory_space<semaphore_mem>>) src(%dma_wait3A_24 : memref<10240x128xf32, #tpu.memory_space<hbm>>) dst(%arg9 : memref<128x128xf32, #tpu.memory_space<vmem>>)
      "tpu.region"() ({
        %run_scoped3A = tpu.sem_alloc : memref<!tpu.dma_semaphore, #tpu.memory_space<semaphore_mem>>
        %dma_start3A_25 = tpu.memref_slice %arg3[%add3A_20] : memref<323584xi32, #tpu.memory_space<hbm>> -> memref<128xi32, #tpu.memory_space<hbm>>
        %dma_start3A_26 = tpu.memref_slice %arg3[%add3A_20] : memref<323584xi32, #tpu.memory_space<hbm>> -> memref<128xi32, #tpu.memory_space<hbm>>
        tpu.enqueue_dma source(%dma_start3A_26 : memref<128xi32, #tpu.memory_space<hbm>>) target(%arg8 : memref<128xi32, #tpu.memory_space<vmem>>) target_semaphore(%run_scoped3A : memref<!tpu.dma_semaphore, #tpu.memory_space<semaphore_mem>>)
        %dma_wait3A_27 = tpu.memref_slice %arg3[%add3A_20] : memref<323584xi32, #tpu.memory_space<hbm>> -> memref<128xi32, #tpu.memory_space<hbm>>
        %dma_wait3A_28 = tpu.memref_slice %arg3[%add3A_20] : memref<323584xi32, #tpu.memory_space<hbm>> -> memref<128xi32, #tpu.memory_space<hbm>>
        tpu.wait_dma2 semaphore(%run_scoped3A : memref<!tpu.dma_semaphore, #tpu.memory_space<semaphore_mem>>) src(%dma_wait3A_28 : memref<128xi32, #tpu.memory_space<hbm>>) dst(%arg8 : memref<128xi32, #tpu.memory_space<vmem>>)
        tpu.yield
      }) : () -> ()
      "tpu.region"() ({
        %run_scoped3A = tpu.sem_alloc : memref<!tpu.dma_semaphore, #tpu.memory_space<semaphore_mem>>
        %dma_start3A_25 = arith.constant 0 : i32
        %dma_start3A_26 = arith.constant 0 : i32
        %dma_start3A_27 = tpu.memref_slice %arg10[%dma_start3A_25, %dma_start3A_26] : memref<10240x128xf32, #tpu.memory_space<vmem_shared>> -> memref<10240x128xf32, #tpu.memory_space<vmem_shared>>
        tpu.enqueue_indirect_dma source(%arg9 : memref<128x128xf32, #tpu.memory_space<vmem>>) target(%dma_start3A_27 : memref<10240x128xf32, #tpu.memory_space<vmem_shared>>) offsets(%arg8 : memref<128xi32, #tpu.memory_space<vmem>>) semaphore(%run_scoped3A : memref<!tpu.dma_semaphore, #tpu.memory_space<semaphore_mem>>) {add = true}
        %dma_wait3A_28 = arith.constant 0 : i32
        %dma_wait3A_29 = arith.constant 0 : i32
        %dma_wait3A_30 = tpu.memref_slice %arg10[%dma_wait3A_28, %dma_wait3A_29] : memref<10240x128xf32, #tpu.memory_space<vmem_shared>> -> memref<10240x128xf32, #tpu.memory_space<vmem_shared>>
        tpu.wait_indirect_dma semaphore(%run_scoped3A : memref<!tpu.dma_semaphore, #tpu.memory_space<semaphore_mem>>) src(%arg9 : memref<128x128xf32, #tpu.memory_space<vmem>>) dst(%dma_wait3A_30 : memref<10240x128xf32, #tpu.memory_space<vmem_shared>>)
        tpu.yield
      }) : () -> ()
    }
    %scan3A_11 = arith.constant 79 : i32
    %barrier3A_12 = arith.constant 0 : index
    tpu.barrier barrier_id(%barrier3A_12)
    %mul3A_13 = arith.constant 640 : i32
    %mul3A_14 = arith.muli %arg1, %mul3A_13 : i32
    %mul3A_15 = arith.constant 640 : i32
    %mul3A_16 = arith.muli %arg1, %mul3A_15 : i32
    "tpu.region"() ({
      %run_scoped3A = tpu.sem_alloc : memref<!tpu.dma_semaphore, #tpu.memory_space<semaphore_mem>>
      %dma_start3A = arith.constant 0 : i32
      %dma_start3A_17 = tpu.memref_slice %arg6[%arg0, %mul3A_16, %dma_start3A] : memref<2x10240x128xf32, #tpu.memory_space<hbm>> -> memref<1x640x128xf32, #tpu.memory_space<hbm>>
      %dma_start3A_18 = tpu.memref_squeeze %dma_start3A_17 : memref<1x640x128xf32, #tpu.memory_space<hbm>> -> memref<640x128xf32, #tpu.memory_space<hbm>>
      %dma_start3A_19 = arith.constant 0 : i32
      %dma_start3A_20 = tpu.memref_slice %arg10[%mul3A_14, %dma_start3A_19] : memref<10240x128xf32, #tpu.memory_space<vmem_shared>> -> memref<640x128xf32, #tpu.memory_space<vmem_shared>>
      tpu.enqueue_dma source(%dma_start3A_20 : memref<640x128xf32, #tpu.memory_space<vmem_shared>>) target(%dma_start3A_18 : memref<640x128xf32, #tpu.memory_space<hbm>>) target_semaphore(%run_scoped3A : memref<!tpu.dma_semaphore, #tpu.memory_space<semaphore_mem>>)
      %dma_wait3A = arith.constant 0 : i32
      %dma_wait3A_21 = tpu.memref_slice %arg6[%arg0, %mul3A_16, %dma_wait3A] : memref<2x10240x128xf32, #tpu.memory_space<hbm>> -> memref<1x640x128xf32, #tpu.memory_space<hbm>>
      %dma_wait3A_22 = tpu.memref_squeeze %dma_wait3A_21 : memref<1x640x128xf32, #tpu.memory_space<hbm>> -> memref<640x128xf32, #tpu.memory_space<hbm>>
      %dma_wait3A_23 = arith.constant 0 : i32
      %dma_wait3A_24 = tpu.memref_slice %arg10[%mul3A_14, %dma_wait3A_23] : memref<10240x128xf32, #tpu.memory_space<vmem_shared>> -> memref<640x128xf32, #tpu.memory_space<vmem_shared>>
      tpu.wait_dma2 semaphore(%run_scoped3A : memref<!tpu.dma_semaphore, #tpu.memory_space<semaphore_mem>>) src(%dma_wait3A_24 : memref<640x128xf32, #tpu.memory_space<vmem_shared>>) dst(%dma_wait3A_22 : memref<640x128xf32, #tpu.memory_space<hbm>>)
      tpu.yield
    }) : () -> ()
    return
  }
}

module attributes {stable_mosaic.version = 14 : i64} {
  func.func @_tc_head_body(%arg0: i32, %arg1: memref<512x128xf32, #tpu.memory_space<vmem>>, %arg2: memref<128x128xf32, #tpu.memory_space<vmem>>, %arg3: memref<1x128xf32, #tpu.memory_space<vmem>>, %arg4: memref<128x128xf32, #tpu.memory_space<vmem>>, %arg5: memref<2x512x128xf32, #tpu.memory_space<vmem>>, %arg6: memref<1x1x512xi32, #tpu.memory_space<vmem>>, %arg7: memref<512x128xf32, #tpu.memory_space<vmem>>, %arg8: memref<64x128xf32, #tpu.memory_space<vmem>>, %arg9: memref<64x128xf32, #tpu.memory_space<vmem>>) attributes {dimension_semantics = [#tpu.dimension_semantics<arbitrary>], iteration_bounds = array<i64: 20>, scalar_prefetch = 0 : i64, scratch_operands = 0 : i64, tpu.core_type = #tpu.core_type<tc>, window_params = [{transform_indices = @transform_0, window_bounds = array<i64: 512, 128>}, {pipeline_mode = #tpu.pipeline_mode<synchronous>, transform_indices = @transform_1, window_bounds = array<i64: 128, 128>}, {pipeline_mode = #tpu.pipeline_mode<synchronous>, transform_indices = @transform_2, window_bounds = array<i64: 1, 128>}, {pipeline_mode = #tpu.pipeline_mode<synchronous>, transform_indices = @transform_3, window_bounds = array<i64: 128, 128>}, {transform_indices = @transform_4, window_bounds = array<i64: 2, 512, 128>}, {transform_indices = @transform_5, window_bounds = array<i64: 1, 1, 512>}, {transform_indices = @transform_6, window_bounds = array<i64: 512, 128>}, {pipeline_mode = #tpu.pipeline_mode<synchronous>, transform_indices = @transform_7, window_bounds = array<i64: 64, 128>}, {pipeline_mode = #tpu.pipeline_mode<synchronous>, transform_indices = @transform_8, window_bounds = array<i64: 64, 128>}]} {
    %get3A = arith.constant 0 : index
    %get3A_0 = arith.constant 0 : index
    %get3A_1 = vector.load %arg1[%get3A, %get3A_0] : memref<512x128xf32, #tpu.memory_space<vmem>>, vector<512x128xf32>
    %get3A_2 = arith.constant 0 : index
    %get3A_3 = arith.constant 0 : index
    %get3A_4 = vector.load %arg2[%get3A_2, %get3A_3] : memref<128x128xf32, #tpu.memory_space<vmem>>, vector<128x128xf32>
    %dot_general3A = arith.constant dense<0.000000e+00> : vector<512x128xf32>
    %dot_general3A_5 = tpu.matmul %get3A_1, %get3A_4, %dot_general3A {dimension_numbers = #tpu.dot_dimension_numbers<[1], [0], [0], [1], [0, 0, 1, 1], [], []>, transpose_lhs_hint = false} : vector<512x128xf32>, vector<128x128xf32>, vector<512x128xf32> -> vector<512x128xf32>
    %get3A_6 = arith.constant 0 : index
    %get3A_7 = arith.constant 0 : index
    %get3A_8 = vector.load %arg3[%get3A_6, %get3A_7] : memref<1x128xf32, #tpu.memory_space<vmem>>, vector<1x128xf32>
    %add3A = vector.broadcast %get3A_8 : vector<1x128xf32> to vector<512x128xf32>
    %add3A_9 = arith.addf %dot_general3A_5, %add3A : vector<512x128xf32>
    %max3A = arith.constant 0.000000e+00 : f32
    %max3A_10 = vector.broadcast %max3A : f32 to vector<512x128xf32>
    %max3A_11 = arith.maximumf %add3A_9, %max3A_10 : vector<512x128xf32>
    %get3A_12 = arith.constant 0 : index
    %get3A_13 = arith.constant 0 : index
    %get3A_14 = arith.constant 0 : index
    %get3A_15 = vector.load %arg5[%get3A_12, %get3A_13, %get3A_14] : memref<2x512x128xf32, #tpu.memory_space<vmem>>, vector<1x512x128xf32>
    %get3A_16 = vector.shape_cast %get3A_15 : vector<1x512x128xf32> to vector<512x128xf32>
    %get3A_17 = arith.constant 1 : index
    %get3A_18 = arith.constant 0 : index
    %get3A_19 = arith.constant 0 : index
    %get3A_20 = vector.load %arg5[%get3A_17, %get3A_18, %get3A_19] : memref<2x512x128xf32, #tpu.memory_space<vmem>>, vector<1x512x128xf32>
    %get3A_21 = vector.shape_cast %get3A_20 : vector<1x512x128xf32> to vector<512x128xf32>
    %add3A_22 = arith.addf %get3A_16, %get3A_21 : vector<512x128xf32>
    %slice3A = vector.extract_strided_slice %add3A_22 {offsets = [0, 0], sizes = [512, 1], strides = [1, 1]} : vector<512x128xf32> to vector<512x1xf32>
    %add3A_23 = arith.constant 1.000000e+00 : f32
    %add3A_24 = vector.broadcast %add3A_23 : f32 to vector<512x1xf32>
    %add3A_25 = arith.addf %slice3A, %add3A_24 : vector<512x1xf32>
    %rsqrt3A = math.rsqrt %add3A_25 : vector<512x1xf32>
    %get3A_26 = arith.constant 0 : index
    %get3A_27 = arith.constant 0 : index
    %get3A_28 = vector.load %arg4[%get3A_26, %get3A_27] : memref<128x128xf32, #tpu.memory_space<vmem>>, vector<128x128xf32>
    %dot_general3A_29 = arith.constant dense<0.000000e+00> : vector<512x128xf32>
    %dot_general3A_30 = tpu.matmul %max3A_11, %get3A_28, %dot_general3A_29 {dimension_numbers = #tpu.dot_dimension_numbers<[1], [0], [0], [1], [0, 0, 1, 1], [], []>, transpose_lhs_hint = false} : vector<512x128xf32>, vector<128x128xf32>, vector<512x128xf32> -> vector<512x128xf32>
    %mul3A = vector.broadcast %rsqrt3A : vector<512x1xf32> to vector<512x128xf32>
    %mul3A_31 = arith.mulf %mul3A, %dot_general3A_30 : vector<512x128xf32>
    %swap3A = arith.constant 0 : index
    %swap3A_32 = arith.constant 0 : index
    %swap3A_33 = vector.load %arg7[%swap3A, %swap3A_32] : memref<512x128xf32, #tpu.memory_space<vmem>>, vector<512x128xf32>
    tpu.vector_store %arg7[%swap3A, %swap3A_32], %mul3A_31 {strides = array<i32>} : memref<512x128xf32, #tpu.memory_space<vmem>>, vector<512x128xf32>,
    %get3A_34 = arith.constant 0 : index
    %get3A_35 = arith.constant 0 : index
    %get3A_36 = arith.constant 0 : index
    %get3A_37 = vector.load %arg6[%get3A_34, %get3A_35, %get3A_36] : memref<1x1x512xi32, #tpu.memory_space<vmem>>, vector<1x1x512xi32>
    %get3A_38 = vector.shape_cast %get3A_37 : vector<1x1x512xi32> to vector<1x512xi32>
    %iota3A = tpu.iota {dimensions = array<i32: 0>} : vector<64x512xi32>
    %broadcast_in_dim3A = vector.shape_cast %get3A_38 : vector<1x512xi32> to vector<1x512xi32>
    %broadcast_in_dim3A_39 = vector.broadcast %broadcast_in_dim3A : vector<1x512xi32> to vector<64x512xi32>
    %eq3A = arith.cmpi eq, %iota3A, %broadcast_in_dim3A_39 : vector<64x512xi32>
    %convert_element_type3A = arith.extui %eq3A : vector<64x512xi1> to vector<64x512xi32>
    %convert_element_type3A_40 = arith.sitofp %convert_element_type3A : vector<64x512xi32> to vector<64x512xf32>
    %dot_general3A_41 = arith.constant dense<0.000000e+00> : vector<64x128xf32>
    %dot_general3A_42 = tpu.matmul %convert_element_type3A_40, %max3A_11, %dot_general3A_41 {dimension_numbers = #tpu.dot_dimension_numbers<[1], [0], [0], [1], [0, 0, 1, 1], [], []>, transpose_lhs_hint = false} : vector<64x512xf32>, vector<512x128xf32>, vector<64x128xf32> -> vector<64x128xf32>
    %reduce_sum3A = arith.constant dense<0.000000e+00> : vector<64xf32>
    %reduce_sum3A_43 = vector.multi_reduction <add>, %convert_element_type3A_40, %reduce_sum3A [1] : vector<64x512xf32> to vector<64xf32>
    %broadcast_in_dim3A_44 = vector.shape_cast %reduce_sum3A_43 : vector<64xf32> to vector<64x1xf32>
    %broadcast_in_dim3A_45 = vector.shape_cast %broadcast_in_dim3A_44 : vector<64x1xf32> to vector<64x1xf32>
    %broadcast_in_dim3A_46 = vector.broadcast %broadcast_in_dim3A_45 : vector<64x1xf32> to vector<64x128xf32>
    %eq3A_47 = arith.constant 0 : i32
    %eq3A_48 = arith.cmpi eq, %arg0, %eq3A_47 : i32
    %convert_element_type3A_49 = arith.extui %eq3A_48 : i1 to i32
    %cond3A = arith.constant 0 : i32
    %cond3A_50 = arith.cmpi ne, %convert_element_type3A_49, %cond3A : i32
    scf.if %cond3A_50 {
      %swap3A_55 = arith.constant 0 : index
      %swap3A_56 = arith.constant 0 : index
      %swap3A_57 = vector.load %arg8[%swap3A_55, %swap3A_56] : memref<64x128xf32, #tpu.memory_space<vmem>>, vector<64x128xf32>
      tpu.vector_store %arg8[%swap3A_55, %swap3A_56], %dot_general3A_42 {strides = array<i32>} : memref<64x128xf32, #tpu.memory_space<vmem>>, vector<64x128xf32>,
      %swap3A_58 = arith.constant 0 : index
      %swap3A_59 = arith.constant 0 : index
      %swap3A_60 = vector.load %arg9[%swap3A_58, %swap3A_59] : memref<64x128xf32, #tpu.memory_space<vmem>>, vector<64x128xf32>
      tpu.vector_store %arg9[%swap3A_58, %swap3A_59], %broadcast_in_dim3A_46 {strides = array<i32>} : memref<64x128xf32, #tpu.memory_space<vmem>>, vector<64x128xf32>,
    } else {
    }
    %gt3A = arith.constant 0 : i32
    %gt3A_51 = arith.cmpi sgt, %arg0, %gt3A : i32
    %convert_element_type3A_52 = arith.extui %gt3A_51 : i1 to i32
    %cond3A_53 = arith.constant 0 : i32
    %cond3A_54 = arith.cmpi ne, %convert_element_type3A_52, %cond3A_53 : i32
    scf.if %cond3A_54 {
      %get3A_55 = arith.constant 0 : index
      %get3A_56 = arith.constant 0 : index
      %get3A_57 = vector.load %arg8[%get3A_55, %get3A_56] : memref<64x128xf32, #tpu.memory_space<vmem>>, vector<64x128xf32>
      %add3A_58 = arith.addf %get3A_57, %dot_general3A_42 : vector<64x128xf32>
      %swap3A_59 = arith.constant 0 : index
      %swap3A_60 = arith.constant 0 : index
      %swap3A_61 = vector.load %arg8[%swap3A_59, %swap3A_60] : memref<64x128xf32, #tpu.memory_space<vmem>>, vector<64x128xf32>
      tpu.vector_store %arg8[%swap3A_59, %swap3A_60], %add3A_58 {strides = array<i32>} : memref<64x128xf32, #tpu.memory_space<vmem>>, vector<64x128xf32>,
      %get3A_62 = arith.constant 0 : index
      %get3A_63 = arith.constant 0 : index
      %get3A_64 = vector.load %arg9[%get3A_62, %get3A_63] : memref<64x128xf32, #tpu.memory_space<vmem>>, vector<64x128xf32>
      %add3A_65 = arith.addf %get3A_64, %broadcast_in_dim3A_46 : vector<64x128xf32>
      %swap3A_66 = arith.constant 0 : index
      %swap3A_67 = arith.constant 0 : index
      %swap3A_68 = vector.load %arg9[%swap3A_66, %swap3A_67] : memref<64x128xf32, #tpu.memory_space<vmem>>, vector<64x128xf32>
      tpu.vector_store %arg9[%swap3A_66, %swap3A_67], %add3A_65 {strides = array<i32>} : memref<64x128xf32, #tpu.memory_space<vmem>>, vector<64x128xf32>,
    } else {
    }
    return
  }
  func.func @transform_0(%arg0: i32) -> (i32, i32) {
    %c0_i32 = arith.constant 0 : i32
    %c0_i32_0 = arith.constant 0 : i32
    return %arg0, %c0_i32 : i32, i32
  }
  func.func @transform_1(%arg0: i32) -> (i32, i32) {
    %c0_i32 = arith.constant 0 : i32
    %c0_i32_0 = arith.constant 0 : i32
    %c0_i32_1 = arith.constant 0 : i32
    return %c0_i32, %c0_i32_0 : i32, i32
  }
  func.func @transform_2(%arg0: i32) -> (i32, i32) {
    %c0_i32 = arith.constant 0 : i32
    %c0_i32_0 = arith.constant 0 : i32
    %c0_i32_1 = arith.constant 0 : i32
    return %c0_i32, %c0_i32_0 : i32, i32
  }
  func.func @transform_3(%arg0: i32) -> (i32, i32) {
    %c0_i32 = arith.constant 0 : i32
    %c0_i32_0 = arith.constant 0 : i32
    %c0_i32_1 = arith.constant 0 : i32
    return %c0_i32, %c0_i32_0 : i32, i32
  }
  func.func @transform_4(%arg0: i32) -> (i32, i32, i32) {
    %c0_i32 = arith.constant 0 : i32
    %c0_i32_0 = arith.constant 0 : i32
    %c0_i32_1 = arith.constant 0 : i32
    return %c0_i32, %arg0, %c0_i32_0 : i32, i32, i32
  }
  func.func @transform_5(%arg0: i32) -> (i32, i32, i32) {
    %c0_i32 = arith.constant 0 : i32
    %c0_i32_0 = arith.constant 0 : i32
    %c0_i32_1 = arith.constant 0 : i32
    return %arg0, %c0_i32, %c0_i32_0 : i32, i32, i32
  }
  func.func @transform_6(%arg0: i32) -> (i32, i32) {
    %c0_i32 = arith.constant 0 : i32
    %c0_i32_0 = arith.constant 0 : i32
    return %arg0, %c0_i32 : i32, i32
  }
  func.func @transform_7(%arg0: i32) -> (i32, i32) {
    %c0_i32 = arith.constant 0 : i32
    %c0_i32_0 = arith.constant 0 : i32
    %c0_i32_1 = arith.constant 0 : i32
    return %c0_i32, %c0_i32_0 : i32, i32
  }
  func.func @transform_8(%arg0: i32) -> (i32, i32) {
    %c0_i32 = arith.constant 0 : i32
    %c0_i32_0 = arith.constant 0 : i32
    %c0_i32_1 = arith.constant 0 : i32
    return %c0_i32, %c0_i32_0 : i32, i32
  }
}

module attributes {stable_mosaic.version = 14 : i64} {
  func.func @_tc_cell_body(%arg0: i32, %arg1: memref<2x512x128xf32, #tpu.memory_space<vmem>>, %arg2: memref<512x128xf32, #tpu.memory_space<vmem>>, %arg3: memref<2x512x128xf32, #tpu.memory_space<vmem>>, %arg4: memref<1x128xf32, #tpu.memory_space<vmem>>, %arg5: memref<128x128xf32, #tpu.memory_space<vmem>>, %arg6: memref<1x1x512xi32, #tpu.memory_space<vmem>>, %arg7: memref<512x128xf32, #tpu.memory_space<vmem>>, %arg8: memref<64x128xf32, #tpu.memory_space<vmem>>) attributes {dimension_semantics = [#tpu.dimension_semantics<arbitrary>], iteration_bounds = array<i64: 20>, scalar_prefetch = 0 : i64, scratch_operands = 0 : i64, tpu.core_type = #tpu.core_type<tc>, window_params = [{transform_indices = @transform_0, window_bounds = array<i64: 2, 512, 128>}, {transform_indices = @transform_1, window_bounds = array<i64: 512, 128>}, {transform_indices = @transform_2, window_bounds = array<i64: 2, 512, 128>}, {pipeline_mode = #tpu.pipeline_mode<synchronous>, transform_indices = @transform_3, window_bounds = array<i64: 1, 128>}, {pipeline_mode = #tpu.pipeline_mode<synchronous>, transform_indices = @transform_4, window_bounds = array<i64: 128, 128>}, {transform_indices = @transform_5, window_bounds = array<i64: 1, 1, 512>}, {transform_indices = @transform_6, window_bounds = array<i64: 512, 128>}, {pipeline_mode = #tpu.pipeline_mode<synchronous>, transform_indices = @transform_7, window_bounds = array<i64: 64, 128>}]} {
    %get3A = arith.constant 0 : index
    %get3A_0 = arith.constant 0 : index
    %get3A_1 = arith.constant 0 : index
    %get3A_2 = vector.load %arg3[%get3A, %get3A_0, %get3A_1] : memref<2x512x128xf32, #tpu.memory_space<vmem>>, vector<1x512x128xf32>
    %get3A_3 = vector.shape_cast %get3A_2 : vector<1x512x128xf32> to vector<512x128xf32>
    %get3A_4 = arith.constant 1 : index
    %get3A_5 = arith.constant 0 : index
    %get3A_6 = arith.constant 0 : index
    %get3A_7 = vector.load %arg3[%get3A_4, %get3A_5, %get3A_6] : memref<2x512x128xf32, #tpu.memory_space<vmem>>, vector<1x512x128xf32>
    %get3A_8 = vector.shape_cast %get3A_7 : vector<1x512x128xf32> to vector<512x128xf32>
    %add3A = arith.addf %get3A_3, %get3A_8 : vector<512x128xf32>
    %slice3A = vector.extract_strided_slice %add3A {offsets = [0, 0], sizes = [512, 1], strides = [1, 1]} : vector<512x128xf32> to vector<512x1xf32>
    %add3A_9 = arith.constant 1.000000e+00 : f32
    %add3A_10 = vector.broadcast %add3A_9 : f32 to vector<512x1xf32>
    %add3A_11 = arith.addf %slice3A, %add3A_10 : vector<512x1xf32>
    %rsqrt3A = math.rsqrt %add3A_11 : vector<512x1xf32>
    %get3A_12 = arith.constant 0 : index
    %get3A_13 = arith.constant 0 : index
    %get3A_14 = arith.constant 0 : index
    %get3A_15 = vector.load %arg1[%get3A_12, %get3A_13, %get3A_14] : memref<2x512x128xf32, #tpu.memory_space<vmem>>, vector<1x512x128xf32>
    %get3A_16 = vector.shape_cast %get3A_15 : vector<1x512x128xf32> to vector<512x128xf32>
    %get3A_17 = arith.constant 1 : index
    %get3A_18 = arith.constant 0 : index
    %get3A_19 = arith.constant 0 : index
    %get3A_20 = vector.load %arg1[%get3A_17, %get3A_18, %get3A_19] : memref<2x512x128xf32, #tpu.memory_space<vmem>>, vector<1x512x128xf32>
    %get3A_21 = vector.shape_cast %get3A_20 : vector<1x512x128xf32> to vector<512x128xf32>
    %add3A_22 = arith.addf %get3A_16, %get3A_21 : vector<512x128xf32>
    %get3A_23 = arith.constant 0 : index
    %get3A_24 = arith.constant 0 : index
    %get3A_25 = vector.load %arg2[%get3A_23, %get3A_24] : memref<512x128xf32, #tpu.memory_space<vmem>>, vector<512x128xf32>
    %add3A_26 = arith.addf %add3A_22, %get3A_25 : vector<512x128xf32>
    %mul3A = vector.broadcast %rsqrt3A : vector<512x1xf32> to vector<512x128xf32>
    %mul3A_27 = arith.mulf %mul3A, %add3A_26 : vector<512x128xf32>
    %get3A_28 = arith.constant 0 : index
    %get3A_29 = arith.constant 0 : index
    %get3A_30 = vector.load %arg4[%get3A_28, %get3A_29] : memref<1x128xf32, #tpu.memory_space<vmem>>, vector<1x128xf32>
    %add3A_31 = vector.broadcast %get3A_30 : vector<1x128xf32> to vector<512x128xf32>
    %add3A_32 = arith.addf %mul3A_27, %add3A_31 : vector<512x128xf32>
    %max3A = arith.constant 0.000000e+00 : f32
    %max3A_33 = vector.broadcast %max3A : f32 to vector<512x128xf32>
    %max3A_34 = arith.maximumf %add3A_32, %max3A_33 : vector<512x128xf32>
    %get3A_35 = arith.constant 0 : index
    %get3A_36 = arith.constant 0 : index
    %get3A_37 = vector.load %arg5[%get3A_35, %get3A_36] : memref<128x128xf32, #tpu.memory_space<vmem>>, vector<128x128xf32>
    %dot_general3A = arith.constant dense<0.000000e+00> : vector<512x128xf32>
    %dot_general3A_38 = tpu.matmul %max3A_34, %get3A_37, %dot_general3A {dimension_numbers = #tpu.dot_dimension_numbers<[1], [0], [0], [1], [0, 0, 1, 1], [], []>, transpose_lhs_hint = false} : vector<512x128xf32>, vector<128x128xf32>, vector<512x128xf32> -> vector<512x128xf32>
    %mul3A_39 = vector.broadcast %rsqrt3A : vector<512x1xf32> to vector<512x128xf32>
    %mul3A_40 = arith.mulf %mul3A_39, %dot_general3A_38 : vector<512x128xf32>
    %swap3A = arith.constant 0 : index
    %swap3A_41 = arith.constant 0 : index
    %swap3A_42 = vector.load %arg7[%swap3A, %swap3A_41] : memref<512x128xf32, #tpu.memory_space<vmem>>, vector<512x128xf32>
    tpu.vector_store %arg7[%swap3A, %swap3A_41], %mul3A_40 {strides = array<i32>} : memref<512x128xf32, #tpu.memory_space<vmem>>, vector<512x128xf32>,
    %get3A_43 = arith.constant 0 : index
    %get3A_44 = arith.constant 0 : index
    %get3A_45 = arith.constant 0 : index
    %get3A_46 = vector.load %arg6[%get3A_43, %get3A_44, %get3A_45] : memref<1x1x512xi32, #tpu.memory_space<vmem>>, vector<1x1x512xi32>
    %get3A_47 = vector.shape_cast %get3A_46 : vector<1x1x512xi32> to vector<1x512xi32>
    %iota3A = tpu.iota {dimensions = array<i32: 0>} : vector<64x512xi32>
    %broadcast_in_dim3A = vector.shape_cast %get3A_47 : vector<1x512xi32> to vector<1x512xi32>
    %broadcast_in_dim3A_48 = vector.broadcast %broadcast_in_dim3A : vector<1x512xi32> to vector<64x512xi32>
    %eq3A = arith.cmpi eq, %iota3A, %broadcast_in_dim3A_48 : vector<64x512xi32>
    %convert_element_type3A = arith.extui %eq3A : vector<64x512xi1> to vector<64x512xi32>
    %convert_element_type3A_49 = arith.sitofp %convert_element_type3A : vector<64x512xi32> to vector<64x512xf32>
    %dot_general3A_50 = arith.constant dense<0.000000e+00> : vector<64x128xf32>
    %dot_general3A_51 = tpu.matmul %convert_element_type3A_49, %max3A_34, %dot_general3A_50 {dimension_numbers = #tpu.dot_dimension_numbers<[1], [0], [0], [1], [0, 0, 1, 1], [], []>, transpose_lhs_hint = false} : vector<64x512xf32>, vector<512x128xf32>, vector<64x128xf32> -> vector<64x128xf32>
    %eq3A_52 = arith.constant 0 : i32
    %eq3A_53 = arith.cmpi eq, %arg0, %eq3A_52 : i32
    %convert_element_type3A_54 = arith.extui %eq3A_53 : i1 to i32
    %cond3A = arith.constant 0 : i32
    %cond3A_55 = arith.cmpi ne, %convert_element_type3A_54, %cond3A : i32
    scf.if %cond3A_55 {
      %swap3A_60 = arith.constant 0 : index
      %swap3A_61 = arith.constant 0 : index
      %swap3A_62 = vector.load %arg8[%swap3A_60, %swap3A_61] : memref<64x128xf32, #tpu.memory_space<vmem>>, vector<64x128xf32>
      tpu.vector_store %arg8[%swap3A_60, %swap3A_61], %dot_general3A_51 {strides = array<i32>} : memref<64x128xf32, #tpu.memory_space<vmem>>, vector<64x128xf32>,
    } else {
    }
    %gt3A = arith.constant 0 : i32
    %gt3A_56 = arith.cmpi sgt, %arg0, %gt3A : i32
    %convert_element_type3A_57 = arith.extui %gt3A_56 : i1 to i32
    %cond3A_58 = arith.constant 0 : i32
    %cond3A_59 = arith.cmpi ne, %convert_element_type3A_57, %cond3A_58 : i32
    scf.if %cond3A_59 {
      %get3A_60 = arith.constant 0 : index
      %get3A_61 = arith.constant 0 : index
      %get3A_62 = vector.load %arg8[%get3A_60, %get3A_61] : memref<64x128xf32, #tpu.memory_space<vmem>>, vector<64x128xf32>
      %add3A_63 = arith.addf %get3A_62, %dot_general3A_51 : vector<64x128xf32>
      %swap3A_64 = arith.constant 0 : index
      %swap3A_65 = arith.constant 0 : index
      %swap3A_66 = vector.load %arg8[%swap3A_64, %swap3A_65] : memref<64x128xf32, #tpu.memory_space<vmem>>, vector<64x128xf32>
      tpu.vector_store %arg8[%swap3A_64, %swap3A_65], %add3A_63 {strides = array<i32>} : memref<64x128xf32, #tpu.memory_space<vmem>>, vector<64x128xf32>,
    } else {
    }
    return
  }
  func.func @transform_0(%arg0: i32) -> (i32, i32, i32) {
    %c0_i32 = arith.constant 0 : i32
    %c0_i32_0 = arith.constant 0 : i32
    %c0_i32_1 = arith.constant 0 : i32
    return %c0_i32, %arg0, %c0_i32_0 : i32, i32, i32
  }
  func.func @transform_1(%arg0: i32) -> (i32, i32) {
    %c0_i32 = arith.constant 0 : i32
    %c0_i32_0 = arith.constant 0 : i32
    return %arg0, %c0_i32 : i32, i32
  }
  func.func @transform_2(%arg0: i32) -> (i32, i32, i32) {
    %c0_i32 = arith.constant 0 : i32
    %c0_i32_0 = arith.constant 0 : i32
    %c0_i32_1 = arith.constant 0 : i32
    return %c0_i32, %arg0, %c0_i32_0 : i32, i32, i32
  }
  func.func @transform_3(%arg0: i32) -> (i32, i32) {
    %c0_i32 = arith.constant 0 : i32
    %c0_i32_0 = arith.constant 0 : i32
    %c0_i32_1 = arith.constant 0 : i32
    return %c0_i32, %c0_i32_0 : i32, i32
  }
  func.func @transform_4(%arg0: i32) -> (i32, i32) {
    %c0_i32 = arith.constant 0 : i32
    %c0_i32_0 = arith.constant 0 : i32
    %c0_i32_1 = arith.constant 0 : i32
    return %c0_i32, %c0_i32_0 : i32, i32
  }
  func.func @transform_5(%arg0: i32) -> (i32, i32, i32) {
    %c0_i32 = arith.constant 0 : i32
    %c0_i32_0 = arith.constant 0 : i32
    %c0_i32_1 = arith.constant 0 : i32
    return %arg0, %c0_i32, %c0_i32_0 : i32, i32, i32
  }
  func.func @transform_6(%arg0: i32) -> (i32, i32) {
    %c0_i32 = arith.constant 0 : i32
    %c0_i32_0 = arith.constant 0 : i32
    return %arg0, %c0_i32 : i32, i32
  }
  func.func @transform_7(%arg0: i32) -> (i32, i32) {
    %c0_i32 = arith.constant 0 : i32
    %c0_i32_0 = arith.constant 0 : i32
    %c0_i32_1 = arith.constant 0 : i32
    return %c0_i32, %c0_i32_0 : i32, i32
  }
}

module attributes {stable_mosaic.version = 14 : i64} {
  func.func @_tc_tail_body(%arg0: i32, %arg1: memref<2x512x128xf32, #tpu.memory_space<vmem>>, %arg2: memref<512x128xf32, #tpu.memory_space<vmem>>, %arg3: memref<2x512x128xf32, #tpu.memory_space<vmem>>, %arg4: memref<1x128xf32, #tpu.memory_space<vmem>>, %arg5: memref<1x1x512xi32, #tpu.memory_space<vmem>>, %arg6: memref<64x128xf32, #tpu.memory_space<vmem>>, %arg7: memref<64x128xf32, #tpu.memory_space<vmem>>, %arg8: memref<64x128xf32, #tpu.memory_space<vmem>>, %arg9: memref<64x128xf32, #tpu.memory_space<vmem>>, %arg10: memref<1x4xf32, #tpu.memory_space<smem>>, %arg11: memref<128x128xf32, #tpu.memory_space<vmem>>, %arg12: memref<1x128xf32, #tpu.memory_space<vmem>>, %arg13: memref<128x128xf32, #tpu.memory_space<vmem>>, %arg14: memref<1x128xf32, #tpu.memory_space<vmem>>, %arg15: memref<64x128xf32, #tpu.memory_space<vmem>>, %arg16: memref<64x128xf32, #tpu.memory_space<vmem>>) attributes {dimension_semantics = [#tpu.dimension_semantics<arbitrary>], iteration_bounds = array<i64: 20>, scalar_prefetch = 0 : i64, scratch_operands = 1 : i64, tpu.core_type = #tpu.core_type<tc>, window_params = [{transform_indices = @transform_0, window_bounds = array<i64: 2, 512, 128>}, {transform_indices = @transform_1, window_bounds = array<i64: 512, 128>}, {transform_indices = @transform_2, window_bounds = array<i64: 2, 512, 128>}, {pipeline_mode = #tpu.pipeline_mode<synchronous>, transform_indices = @transform_3, window_bounds = array<i64: 1, 128>}, {transform_indices = @transform_4, window_bounds = array<i64: 1, 1, 512>}, {pipeline_mode = #tpu.pipeline_mode<synchronous>, transform_indices = @transform_5, window_bounds = array<i64: 64, 128>}, {pipeline_mode = #tpu.pipeline_mode<synchronous>, transform_indices = @transform_6, window_bounds = array<i64: 64, 128>}, {pipeline_mode = #tpu.pipeline_mode<synchronous>, transform_indices = @transform_7, window_bounds = array<i64: 64, 128>}, {pipeline_mode = #tpu.pipeline_mode<synchronous>, transform_indices = @transform_8, window_bounds = array<i64: 64, 128>}, {transform_indices = @transform_9, window_bounds = array<i64: 1, 4>}, {pipeline_mode = #tpu.pipeline_mode<synchronous>, transform_indices = @transform_10, window_bounds = array<i64: 128, 128>}, {pipeline_mode = #tpu.pipeline_mode<synchronous>, transform_indices = @transform_11, window_bounds = array<i64: 1, 128>}, {pipeline_mode = #tpu.pipeline_mode<synchronous>, transform_indices = @transform_12, window_bounds = array<i64: 128, 128>}, {pipeline_mode = #tpu.pipeline_mode<synchronous>, transform_indices = @transform_13, window_bounds = array<i64: 1, 128>}, {pipeline_mode = #tpu.pipeline_mode<synchronous>, transform_indices = @transform_14, window_bounds = array<i64: 64, 128>}]} {
    %get3A = arith.constant 0 : index
    %get3A_0 = arith.constant 0 : index
    %get3A_1 = arith.constant 0 : index
    %get3A_2 = vector.load %arg3[%get3A, %get3A_0, %get3A_1] : memref<2x512x128xf32, #tpu.memory_space<vmem>>, vector<1x512x128xf32>
    %get3A_3 = vector.shape_cast %get3A_2 : vector<1x512x128xf32> to vector<512x128xf32>
    %get3A_4 = arith.constant 1 : index
    %get3A_5 = arith.constant 0 : index
    %get3A_6 = arith.constant 0 : index
    %get3A_7 = vector.load %arg3[%get3A_4, %get3A_5, %get3A_6] : memref<2x512x128xf32, #tpu.memory_space<vmem>>, vector<1x512x128xf32>
    %get3A_8 = vector.shape_cast %get3A_7 : vector<1x512x128xf32> to vector<512x128xf32>
    %add3A = arith.addf %get3A_3, %get3A_8 : vector<512x128xf32>
    %slice3A = vector.extract_strided_slice %add3A {offsets = [0, 0], sizes = [512, 1], strides = [1, 1]} : vector<512x128xf32> to vector<512x1xf32>
    %add3A_9 = arith.constant 1.000000e+00 : f32
    %add3A_10 = vector.broadcast %add3A_9 : f32 to vector<512x1xf32>
    %add3A_11 = arith.addf %slice3A, %add3A_10 : vector<512x1xf32>
    %rsqrt3A = math.rsqrt %add3A_11 : vector<512x1xf32>
    %get3A_12 = arith.constant 0 : index
    %get3A_13 = arith.constant 0 : index
    %get3A_14 = arith.constant 0 : index
    %get3A_15 = vector.load %arg1[%get3A_12, %get3A_13, %get3A_14] : memref<2x512x128xf32, #tpu.memory_space<vmem>>, vector<1x512x128xf32>
    %get3A_16 = vector.shape_cast %get3A_15 : vector<1x512x128xf32> to vector<512x128xf32>
    %get3A_17 = arith.constant 1 : index
    %get3A_18 = arith.constant 0 : index
    %get3A_19 = arith.constant 0 : index
    %get3A_20 = vector.load %arg1[%get3A_17, %get3A_18, %get3A_19] : memref<2x512x128xf32, #tpu.memory_space<vmem>>, vector<1x512x128xf32>
    %get3A_21 = vector.shape_cast %get3A_20 : vector<1x512x128xf32> to vector<512x128xf32>
    %add3A_22 = arith.addf %get3A_16, %get3A_21 : vector<512x128xf32>
    %get3A_23 = arith.constant 0 : index
    %get3A_24 = arith.constant 0 : index
    %get3A_25 = vector.load %arg2[%get3A_23, %get3A_24] : memref<512x128xf32, #tpu.memory_space<vmem>>, vector<512x128xf32>
    %add3A_26 = arith.addf %add3A_22, %get3A_25 : vector<512x128xf32>
    %mul3A = vector.broadcast %rsqrt3A : vector<512x1xf32> to vector<512x128xf32>
    %mul3A_27 = arith.mulf %mul3A, %add3A_26 : vector<512x128xf32>
    %get3A_28 = arith.constant 0 : index
    %get3A_29 = arith.constant 0 : index
    %get3A_30 = vector.load %arg4[%get3A_28, %get3A_29] : memref<1x128xf32, #tpu.memory_space<vmem>>, vector<1x128xf32>
    %add3A_31 = vector.broadcast %get3A_30 : vector<1x128xf32> to vector<512x128xf32>
    %add3A_32 = arith.addf %mul3A_27, %add3A_31 : vector<512x128xf32>
    %max3A = arith.constant 0.000000e+00 : f32
    %max3A_33 = vector.broadcast %max3A : f32 to vector<512x128xf32>
    %max3A_34 = arith.maximumf %add3A_32, %max3A_33 : vector<512x128xf32>
    %get3A_35 = arith.constant 0 : index
    %get3A_36 = arith.constant 0 : index
    %get3A_37 = arith.constant 0 : index
    %get3A_38 = vector.load %arg5[%get3A_35, %get3A_36, %get3A_37] : memref<1x1x512xi32, #tpu.memory_space<vmem>>, vector<1x1x512xi32>
    %get3A_39 = vector.shape_cast %get3A_38 : vector<1x1x512xi32> to vector<1x512xi32>
    %iota3A = tpu.iota {dimensions = array<i32: 0>} : vector<64x512xi32>
    %broadcast_in_dim3A = vector.shape_cast %get3A_39 : vector<1x512xi32> to vector<1x512xi32>
    %broadcast_in_dim3A_40 = vector.broadcast %broadcast_in_dim3A : vector<1x512xi32> to vector<64x512xi32>
    %eq3A = arith.cmpi eq, %iota3A, %broadcast_in_dim3A_40 : vector<64x512xi32>
    %convert_element_type3A = arith.extui %eq3A : vector<64x512xi1> to vector<64x512xi32>
    %convert_element_type3A_41 = arith.sitofp %convert_element_type3A : vector<64x512xi32> to vector<64x512xf32>
    %dot_general3A = arith.constant dense<0.000000e+00> : vector<64x128xf32>
    %dot_general3A_42 = tpu.matmul %convert_element_type3A_41, %max3A_34, %dot_general3A {dimension_numbers = #tpu.dot_dimension_numbers<[1], [0], [0], [1], [0, 0, 1, 1], [], []>, transpose_lhs_hint = false} : vector<64x512xf32>, vector<512x128xf32>, vector<64x128xf32> -> vector<64x128xf32>
    %eq3A_43 = arith.constant 0 : i32
    %eq3A_44 = arith.cmpi eq, %arg0, %eq3A_43 : i32
    %convert_element_type3A_45 = arith.extui %eq3A_44 : i1 to i32
    %cond3A = arith.constant 0 : i32
    %cond3A_46 = arith.cmpi ne, %convert_element_type3A_45, %cond3A : i32
    scf.if %cond3A_46 {
      %swap3A = arith.constant 0 : index
      %swap3A_56 = arith.constant 0 : index
      %swap3A_57 = vector.load %arg16[%swap3A, %swap3A_56] : memref<64x128xf32, #tpu.memory_space<vmem>>, vector<64x128xf32>
      tpu.vector_store %arg16[%swap3A, %swap3A_56], %dot_general3A_42 {strides = array<i32>} : memref<64x128xf32, #tpu.memory_space<vmem>>, vector<64x128xf32>,
    } else {
    }
    %gt3A = arith.constant 0 : i32
    %gt3A_47 = arith.cmpi sgt, %arg0, %gt3A : i32
    %convert_element_type3A_48 = arith.extui %gt3A_47 : i1 to i32
    %cond3A_49 = arith.constant 0 : i32
    %cond3A_50 = arith.cmpi ne, %convert_element_type3A_48, %cond3A_49 : i32
    scf.if %cond3A_50 {
      %get3A_56 = arith.constant 0 : index
      %get3A_57 = arith.constant 0 : index
      %get3A_58 = vector.load %arg16[%get3A_56, %get3A_57] : memref<64x128xf32, #tpu.memory_space<vmem>>, vector<64x128xf32>
      %add3A_59 = arith.addf %get3A_58, %dot_general3A_42 : vector<64x128xf32>
      %swap3A = arith.constant 0 : index
      %swap3A_60 = arith.constant 0 : index
      %swap3A_61 = vector.load %arg16[%swap3A, %swap3A_60] : memref<64x128xf32, #tpu.memory_space<vmem>>, vector<64x128xf32>
      tpu.vector_store %arg16[%swap3A, %swap3A_60], %add3A_59 {strides = array<i32>} : memref<64x128xf32, #tpu.memory_space<vmem>>, vector<64x128xf32>,
    } else {
    }
    %eq3A_51 = arith.constant 19 : i32
    %eq3A_52 = arith.cmpi eq, %arg0, %eq3A_51 : i32
    %convert_element_type3A_53 = arith.extui %eq3A_52 : i1 to i32
    %cond3A_54 = arith.constant 0 : i32
    %cond3A_55 = arith.cmpi ne, %convert_element_type3A_53, %cond3A_54 : i32
    scf.if %cond3A_55 {
      %get3A_56 = arith.constant 0 : index
      %get3A_57 = arith.constant 0 : index
      %get3A_58 = vector.load %arg9[%get3A_56, %get3A_57] : memref<64x128xf32, #tpu.memory_space<vmem>>, vector<64x128xf32>
      %max3A_59 = arith.constant 1.000000e+00 : f32
      %max3A_60 = vector.broadcast %max3A_59 : f32 to vector<64x128xf32>
      %max3A_61 = arith.maximumf %get3A_58, %max3A_60 : vector<64x128xf32>
      %get3A_62 = arith.constant 0 : index
      %get3A_63 = arith.constant 0 : index
      %get3A_64 = memref.load %arg10[%get3A_62, %get3A_63] : memref<1x4xf32, #tpu.memory_space<smem>>
      %get3A_65 = arith.constant 0 : index
      %get3A_66 = arith.constant 0 : index
      %get3A_67 = vector.load %arg6[%get3A_65, %get3A_66] : memref<64x128xf32, #tpu.memory_space<vmem>>, vector<64x128xf32>
      %mul3A_68 = vector.broadcast %get3A_64 : f32 to vector<64x128xf32>
      %mul3A_69 = arith.mulf %mul3A_68, %get3A_67 : vector<64x128xf32>
      %get3A_70 = arith.constant 0 : index
      %get3A_71 = arith.constant 1 : index
      %get3A_72 = memref.load %arg10[%get3A_70, %get3A_71] : memref<1x4xf32, #tpu.memory_space<smem>>
      %get3A_73 = arith.constant 0 : index
      %get3A_74 = arith.constant 0 : index
      %get3A_75 = vector.load %arg7[%get3A_73, %get3A_74] : memref<64x128xf32, #tpu.memory_space<vmem>>, vector<64x128xf32>
      %mul3A_76 = vector.broadcast %get3A_72 : f32 to vector<64x128xf32>
      %mul3A_77 = arith.mulf %mul3A_76, %get3A_75 : vector<64x128xf32>
      %add3A_78 = arith.addf %mul3A_69, %mul3A_77 : vector<64x128xf32>
      %get3A_79 = arith.constant 0 : index
      %get3A_80 = arith.constant 2 : index
      %get3A_81 = memref.load %arg10[%get3A_79, %get3A_80] : memref<1x4xf32, #tpu.memory_space<smem>>
      %get3A_82 = arith.constant 0 : index
      %get3A_83 = arith.constant 0 : index
      %get3A_84 = vector.load %arg8[%get3A_82, %get3A_83] : memref<64x128xf32, #tpu.memory_space<vmem>>, vector<64x128xf32>
      %mul3A_85 = vector.broadcast %get3A_81 : f32 to vector<64x128xf32>
      %mul3A_86 = arith.mulf %mul3A_85, %get3A_84 : vector<64x128xf32>
      %add3A_87 = arith.addf %add3A_78, %mul3A_86 : vector<64x128xf32>
      %get3A_88 = arith.constant 0 : index
      %get3A_89 = arith.constant 3 : index
      %get3A_90 = memref.load %arg10[%get3A_88, %get3A_89] : memref<1x4xf32, #tpu.memory_space<smem>>
      %get3A_91 = arith.constant 0 : index
      %get3A_92 = arith.constant 0 : index
      %get3A_93 = vector.load %arg16[%get3A_91, %get3A_92] : memref<64x128xf32, #tpu.memory_space<vmem>>, vector<64x128xf32>
      %mul3A_94 = vector.broadcast %get3A_90 : f32 to vector<64x128xf32>
      %mul3A_95 = arith.mulf %mul3A_94, %get3A_93 : vector<64x128xf32>
      %add3A_96 = arith.addf %add3A_87, %mul3A_95 : vector<64x128xf32>
      %div3A = arith.divf %add3A_96, %max3A_61 : vector<64x128xf32>
      %get3A_97 = arith.constant 0 : index
      %get3A_98 = arith.constant 0 : index
      %get3A_99 = vector.load %arg11[%get3A_97, %get3A_98] : memref<128x128xf32, #tpu.memory_space<vmem>>, vector<128x128xf32>
      %dot_general3A_100 = arith.constant dense<0.000000e+00> : vector<64x128xf32>
      %dot_general3A_101 = tpu.matmul %div3A, %get3A_99, %dot_general3A_100 {dimension_numbers = #tpu.dot_dimension_numbers<[1], [0], [0], [1], [0, 0, 1, 1], [], []>, transpose_lhs_hint = false} : vector<64x128xf32>, vector<128x128xf32>, vector<64x128xf32> -> vector<64x128xf32>
      %get3A_102 = arith.constant 0 : index
      %get3A_103 = arith.constant 0 : index
      %get3A_104 = vector.load %arg12[%get3A_102, %get3A_103] : memref<1x128xf32, #tpu.memory_space<vmem>>, vector<1x128xf32>
      %add3A_105 = vector.broadcast %get3A_104 : vector<1x128xf32> to vector<64x128xf32>
      %add3A_106 = arith.addf %dot_general3A_101, %add3A_105 : vector<64x128xf32>
      %max3A_107 = arith.constant 0.000000e+00 : f32
      %max3A_108 = vector.broadcast %max3A_107 : f32 to vector<64x128xf32>
      %max3A_109 = arith.maximumf %add3A_106, %max3A_108 : vector<64x128xf32>
      %get3A_110 = arith.constant 0 : index
      %get3A_111 = arith.constant 0 : index
      %get3A_112 = vector.load %arg13[%get3A_110, %get3A_111] : memref<128x128xf32, #tpu.memory_space<vmem>>, vector<128x128xf32>
      %dot_general3A_113 = arith.constant dense<0.000000e+00> : vector<64x128xf32>
      %dot_general3A_114 = tpu.matmul %max3A_109, %get3A_112, %dot_general3A_113 {dimension_numbers = #tpu.dot_dimension_numbers<[1], [0], [0], [1], [0, 0, 1, 1], [], []>, transpose_lhs_hint = false} : vector<64x128xf32>, vector<128x128xf32>, vector<64x128xf32> -> vector<64x128xf32>
      %get3A_115 = arith.constant 0 : index
      %get3A_116 = arith.constant 0 : index
      %get3A_117 = vector.load %arg14[%get3A_115, %get3A_116] : memref<1x128xf32, #tpu.memory_space<vmem>>, vector<1x128xf32>
      %add3A_118 = vector.broadcast %get3A_117 : vector<1x128xf32> to vector<64x128xf32>
      %add3A_119 = arith.addf %dot_general3A_114, %add3A_118 : vector<64x128xf32>
      %iota3A_120 = tpu.iota {dimensions = array<i32: 1>} : vector<64x128xi32>
      %lt3A = arith.constant 10 : i32
      %lt3A_121 = vector.broadcast %lt3A : i32 to vector<64x128xi32>
      %lt3A_122 = arith.cmpi slt, %iota3A_120, %lt3A_121 : vector<64x128xi32>
      %jit3A = arith.constant -1.000000e+30 : f32
      %broadcast_in_dim3A_123 = vector.broadcast %jit3A : f32 to vector<64x128xf32>
      %select_n3A = arith.select %lt3A_122, %add3A_119, %broadcast_in_dim3A_123 : vector<64x128xi1>, vector<64x128xf32>
      %reduce_max3A = arith.constant dense<0xFF800000> : vector<64xf32>
      %reduce_max3A_124 = vector.multi_reduction <maximumf>, %select_n3A, %reduce_max3A [1] : vector<64x128xf32> to vector<64xf32>
      %broadcast_in_dim3A_125 = vector.shape_cast %reduce_max3A_124 : vector<64xf32> to vector<64x1xf32>
      %sub3A = vector.broadcast %broadcast_in_dim3A_125 : vector<64x1xf32> to vector<64x128xf32>
      %sub3A_126 = arith.subf %add3A_119, %sub3A : vector<64x128xf32>
      %exp3A = math.exp %sub3A_126 : vector<64x128xf32>
      %jit3A_127 = arith.constant 0.000000e+00 : f32
      %broadcast_in_dim3A_128 = vector.broadcast %jit3A_127 : f32 to vector<64x128xf32>
      %select_n3A_129 = arith.select %lt3A_122, %exp3A, %broadcast_in_dim3A_128 : vector<64x128xi1>, vector<64x128xf32>
      %reduce_sum3A = arith.constant dense<0.000000e+00> : vector<64xf32>
      %reduce_sum3A_130 = vector.multi_reduction <add>, %select_n3A_129, %reduce_sum3A [1] : vector<64x128xf32> to vector<64xf32>
      %broadcast_in_dim3A_131 = vector.shape_cast %reduce_sum3A_130 : vector<64xf32> to vector<64x1xf32>
      %log3A = math.log %broadcast_in_dim3A_131 : vector<64x1xf32>
      %add3A_132 = arith.addf %log3A, %broadcast_in_dim3A_125 : vector<64x1xf32>
      %sub3A_133 = vector.broadcast %add3A_132 : vector<64x1xf32> to vector<64x128xf32>
      %sub3A_134 = arith.subf %add3A_119, %sub3A_133 : vector<64x128xf32>
      %swap3A = arith.constant 0 : index
      %swap3A_135 = arith.constant 0 : index
      %swap3A_136 = vector.load %arg15[%swap3A, %swap3A_135] : memref<64x128xf32, #tpu.memory_space<vmem>>, vector<64x128xf32>
      tpu.vector_store %arg15[%swap3A, %swap3A_135], %sub3A_134 {strides = array<i32>} : memref<64x128xf32, #tpu.memory_space<vmem>>, vector<64x128xf32>,
    } else {
    }
    return
  }
  func.func @transform_0(%arg0: i32) -> (i32, i32, i32) {
    %c0_i32 = arith.constant 0 : i32
    %c0_i32_0 = arith.constant 0 : i32
    %c0_i32_1 = arith.constant 0 : i32
    return %c0_i32, %arg0, %c0_i32_0 : i32, i32, i32
  }
  func.func @transform_1(%arg0: i32) -> (i32, i32) {
    %c0_i32 = arith.constant 0 : i32
    %c0_i32_0 = arith.constant 0 : i32
    return %arg0, %c0_i32 : i32, i32
  }
  func.func @transform_2(%arg0: i32) -> (i32, i32, i32) {
    %c0_i32 = arith.constant 0 : i32
    %c0_i32_0 = arith.constant 0 : i32
    %c0_i32_1 = arith.constant 0 : i32
    return %c0_i32, %arg0, %c0_i32_0 : i32, i32, i32
  }
  func.func @transform_3(%arg0: i32) -> (i32, i32) {
    %c0_i32 = arith.constant 0 : i32
    %c0_i32_0 = arith.constant 0 : i32
    %c0_i32_1 = arith.constant 0 : i32
    return %c0_i32, %c0_i32_0 : i32, i32
  }
  func.func @transform_4(%arg0: i32) -> (i32, i32, i32) {
    %c0_i32 = arith.constant 0 : i32
    %c0_i32_0 = arith.constant 0 : i32
    %c0_i32_1 = arith.constant 0 : i32
    return %arg0, %c0_i32, %c0_i32_0 : i32, i32, i32
  }
  func.func @transform_5(%arg0: i32) -> (i32, i32) {
    %c0_i32 = arith.constant 0 : i32
    %c0_i32_0 = arith.constant 0 : i32
    %c0_i32_1 = arith.constant 0 : i32
    return %c0_i32, %c0_i32_0 : i32, i32
  }
  func.func @transform_6(%arg0: i32) -> (i32, i32) {
    %c0_i32 = arith.constant 0 : i32
    %c0_i32_0 = arith.constant 0 : i32
    %c0_i32_1 = arith.constant 0 : i32
    return %c0_i32, %c0_i32_0 : i32, i32
  }
  func.func @transform_7(%arg0: i32) -> (i32, i32) {
    %c0_i32 = arith.constant 0 : i32
    %c0_i32_0 = arith.constant 0 : i32
    %c0_i32_1 = arith.constant 0 : i32
    return %c0_i32, %c0_i32_0 : i32, i32
  }
  func.func @transform_8(%arg0: i32) -> (i32, i32) {
    %c0_i32 = arith.constant 0 : i32
    %c0_i32_0 = arith.constant 0 : i32
    %c0_i32_1 = arith.constant 0 : i32
    return %c0_i32, %c0_i32_0 : i32, i32
  }
  func.func @transform_9(%arg0: i32) -> (i32, i32) {
    %c0_i32 = arith.constant 0 : i32
    %c0_i32_0 = arith.constant 0 : i32
    %c0_i32_1 = arith.constant 0 : i32
    return %c0_i32, %c0_i32_0 : i32, i32
  }
  func.func @transform_10(%arg0: i32) -> (i32, i32) {
    %c0_i32 = arith.constant 0 : i32
    %c0_i32_0 = arith.constant 0 : i32
    %c0_i32_1 = arith.constant 0 : i32
    return %c0_i32, %c0_i32_0 : i32, i32
  }
  func.func @transform_11(%arg0: i32) -> (i32, i32) {
    %c0_i32 = arith.constant 0 : i32
    %c0_i32_0 = arith.constant 0 : i32
    %c0_i32_1 = arith.constant 0 : i32
    return %c0_i32, %c0_i32_0 : i32, i32
  }
  func.func @transform_12(%arg0: i32) -> (i32, i32) {
    %c0_i32 = arith.constant 0 : i32
    %c0_i32_0 = arith.constant 0 : i32
    %c0_i32_1 = arith.constant 0 : i32
    return %c0_i32, %c0_i32_0 : i32, i32
  }
  func.func @transform_13(%arg0: i32) -> (i32, i32) {
    %c0_i32 = arith.constant 0 : i32
    %c0_i32_0 = arith.constant 0 : i32
    %c0_i32_1 = arith.constant 0 : i32
    return %c0_i32, %c0_i32_0 : i32, i32
  }
  func.func @transform_14(%arg0: i32) -> (i32, i32) {
    %c0_i32 = arith.constant 0 : i32
    %c0_i32_0 = arith.constant 0 : i32
    %c0_i32_1 = arith.constant 0 : i32
    return %c0_i32, %c0_i32_0 : i32, i32
  }
}

</mosaic_0001>

<sc_bundles>
// kernel: kernel.10.cloned.1.call-start
scs
__scs_entry_jumppad:
0x0: {  	(pc) =	sbr.rel $0x88, $3  }
0x1: {  	(tag) =	ssettag $0x0;
	lr =	simm.s32 $0x1  }
0x2: {  	[smem:$0x3F91] =	sst lr;
	_ =	strace $0xD0000000  }
0x3: {  	_ = 	snop  }
0x4: {  	_ = 	snop  }
0x5: {  	_ = 	snop  }
0x6: {  	_ = 	snop  }
0x7: {  	_ = 	snop  }
__scs_overlays_trampoline_lowered:
0x8: {  	[smem:$0x3FA0] =	sst s0  }
0x9: {  	[smem:$0x3FA1] =	sst s1  }
0xa: {  	[smem:$0x3FA2] =	sst s2  }
0xb: {  	[smem:$0x3FA3] =	sst s3  }
0xc: {  	[smem:$0x3FA4] =	sst s4  }
0xd: {  	[smem:$0x3FA5] =	sst s5  }
0xe: {  	[smem:$0x3FA6] =	sst s6  }
0xf: {  	[smem:$0x3FA7] =	sst s7  }
0x10: {  	[smem:$0x3FA8] =	sst s8  }
0x11: {  	[smem:$0x3FA9] =	sst s9;
	s0 =	simm.s32 @!p0 $0x0  }
0x12: {  	s1 =	sld [smem:$0x3F8F];
	s0 =	simm.s32 @p0 $0x1  }
0x13: {  	[smem:$0x3FAA] =	sst s0;
	s0 =	simm.s32 @!p1 $0x0  }
0x14: {  	s2 =	sld [smem:$0x3F8E];
	s0 =	simm.s32 @p1 $0x1  }
0x15: {  	[smem:$0x3FAB] =	sst s0;
	s0 =	simm.s32 @!p2 $0x0  }
0x16: {  	s3 =	sld [smem:$0x3FDB];
	s0 =	simm.s32 @p2 $0x1  }
0x17: {  	s4 =	simm.s32 $0x1BF5;
	[smem:$0x3FAD] =	sst s0  }
0x18: {  	s0 =	sld [smem:$0x3F90];
	_ =	swait.ge [sflag:s4], $0x0  }
0x19: {  	s7 =	sld [smem:$0x3F91]  }
0x1a: {  	s8 =	sadd.s32 $0xFFFFE003, lr  }
0x1b: {  	s9 =	sadd.s32 $0xFFFFFEF7, lr;
	s5 =	simm.s32 $0xFFFFFFFF;
	p2 =	slt.u32 s8, $0xFFFFF086  }
0x1c: {  	p1 =	slt.u32 s9, $0xF7A;
	s5 =	simm.s32 @!p2 $0x0  }
0x1d: {  	s5 =	simm.s32 @p1 $0x1;
	p0 =	seq.s32 s7, s2  }
0x1e: {  	s7 =	smul.u32 @!p0 $0xF7A, s2;
	p2 =	seq.s32 @!p0 s5, $0x0  }
0x1f: {  	s9 =	smul.u32 $0xF7A, s1;
	s8 =	simm.s32 @!p0 $0x1BF5;
	p2 =	por !p2, p0  }
0x20: {  	[sflag:s8] =	ssyncset.s32 @!p0 $0xFFFFF086;
	s6 =	sadd.s32 @!p0 s3, s7;
	s7 =	simm.s32 @!p0 $0x108  }
0x21: {  	s3 =	sadd.s32 s3, s9;
	s6 =	sadd.s32 @!p0 $0x88, s6;
	s7 =	simm.s32 @p2 $0x1082  }
0x22: {  	[simem:s7], [sflag:s8] =	dma.local @!p0 [hbm:s6], $0xF7A  }
0x23: {  	s9 =	sor.u32 $0xD0000000, s2;
	s6 =	simm.s32 $0x108;
	_ =	swait.ge @!p0 [sflag:s8], $0x0  }
0x24: {  	s3 =	sadd.s32 $0x88, s3;
	s6 =	simm.s32 @!p1 $0x1082;
	[sflag:s4] =	ssyncset.s32 $0xFFFFF086  }
0x25: {  	[simem:s6], [sflag:s4] =	dma.local [hbm:s3], $0xF7A  }
0x26: {  	[smem:$0x3F91] =	sst s1;
	(tag) =	ssettag s2;
	_ =	strace s9  }
0x27: {  	s1 =	sld [smem:$0x3FA1]  }
0x28: {  	s2 =	sld [smem:$0x3FA2]  }
0x29: {  	s4 =	sld [smem:$0x3FA4]  }
0x2a: {  	p0 =	seq.s32 s5, $0x0;
	s5 =	sld [smem:$0x3FA5]  }
0x2b: {  	s6 =	sld [smem:$0x3FA6]  }
0x2c: {  	s7 =	sld [smem:$0x3FA7]  }
0x2d: {  	s3 =	simm.s32 $0x108;
	s8 =	sld [smem:$0x3FA8]  }
0x2e: {  	s3 =	simm.s32 @!p0 $0x1082;
	s9 =	sld [smem:$0x3FA9]  }
0x2f: {  	lr =	sadd.s32 s0, s3;
	s0 =	sld [smem:$0x3FA0]  }
0x30: {  	s3 =	sld [smem:$0x3FA3]  }
0x31: {  	[smem:$0x3FAC] =	sst s10  }
0x32: {  	s10 =	sld [smem:$0x3FAA];
	_ =	sdelay $0x3  }
0x33: {  	p0 =	seq.s32 s10, $0x1;
	s10 =	sld [smem:$0x3FAC];
	_ =	sdelay $0x3  }
0x34: {  	[smem:$0x3FAC] =	sst s10  }
0x35: {  	s10 =	sld [smem:$0x3FAB];
	_ =	sdelay $0x3  }
0x36: {  	p1 =	seq.s32 s10, $0x1;
	s10 =	sld [smem:$0x3FAC];
	_ =	sdelay $0x3  }
0x37: {  	[smem:$0x3FAC] =	sst s10  }
0x38: {  	s10 =	sld [smem:$0x3FAD]  }
0x39: {  	_ = 	snop;
	(pc) =	sbr.ind lr, $3  }
0x3a: {  	_ = 	snop  }
0x3b: {  	_ = 	snop  }
0x3c: {  	p2 =	seq.s32 s10, $0x1;
	s10 =	sld [smem:$0x3FAC]  }
0x3d: {  	_ =	shalt  }
0x3e: {  	_ =	shalt  }
0x3f: {  	_ =	shalt  }
0x40: {  	_ =	shalt  }
0x41: {  	_ =	shalt  }
0x42: {  	_ =	shalt  }
0x43: {  	_ =	shalt  }
0x44: {  	_ =	shalt  }
0x45: {  	_ =	shalt  }
0x46: {  	_ =	shalt  }
0x47: {  	_ =	shalt  }
0x48: {  	_ =	shalt  }
0x49: {  	_ =	shalt  }
0x4a: {  	_ =	shalt  }
0x4b: {  	_ =	shalt  }
0x4c: {  	_ =	shalt  }
0x4d: {  	_ =	shalt  }
0x4e: {  	_ =	shalt  }
0x4f: {  	_ =	shalt  }
0x50: {  	_ =	shalt  }
0x51: {  	_ =	shalt  }
0x52: {  	_ =	shalt  }
0x53: {  	_ =	shalt  }
0x54: {  	_ =	shalt  }
0x55: {  	_ =	shalt  }
0x56: {  	_ =	shalt  }
0x57: {  	_ =	shalt  }
0x58: {  	_ =	shalt  }
0x59: {  	_ =	shalt  }
0x5a: {  	_ =	shalt  }
0x5b: {  	_ =	shalt  }
0x5c: {  	_ =	shalt  }
0x5d: {  	_ =	shalt  }
0x5e: {  	_ =	shalt  }
0x5f: {  	_ =	shalt  }
0x60: {  	_ =	shalt  }
0x61: {  	_ =	shalt  }
0x62: {  	_ =	shalt  }
0x63: {  	_ =	shalt  }
0x64: {  	_ =	shalt  }
0x65: {  	_ =	shalt  }
0x66: {  	_ =	shalt  }
0x67: {  	_ =	shalt  }
0x68: {  	_ =	shalt  }
0x69: {  	_ =	shalt  }
0x6a: {  	_ =	shalt  }
0x6b: {  	_ =	shalt  }
0x6c: {  	_ =	shalt  }
0x6d: {  	_ =	shalt  }
0x6e: {  	_ =	shalt  }
0x6f: {  	_ =	shalt  }
0x70: {  	_ =	shalt  }
0x71: {  	_ =	shalt  }
0x72: {  	_ =	shalt  }
0x73: {  	_ =	shalt  }
0x74: {  	_ =	shalt  }
0x75: {  	_ =	shalt  }
0x76: {  	_ =	shalt  }
0x77: {  	_ =	shalt  }
0x78: {  	_ =	shalt  }
0x79: {  	_ =	shalt  }
0x7a: {  	_ =	shalt  }
0x7b: {  	_ =	shalt  }
0x7c: {  	_ =	shalt  }
0x7d: {  	_ =	shalt  }
0x7e: {  	_ =	shalt  }
0x7f: {  	_ =	shalt  }
0x80: {  	_ =	shalt  }
0x81: {  	_ =	shalt  }
0x82: {  	_ =	shalt  }
0x83: {  	_ =	shalt  }
0x84: {  	_ =	shalt  }
0x85: {  	_ =	shalt  }
0x86: {  	_ =	shalt  }
0x87: {  	_ =	shalt  }
.Lfunc_end0:
.L_simem_size_0:
called_computation_lowered:
.L_overlay_start_0:
0x88: {  	s2 =	sld [smem:$0x3FD9]  }
0x89: {  	s3 =	sld [smem:$0x3FFE];
	_ =	sdelay $0x1  }
0x8a: {  	s1 =	srdreg.scid  }
0x8b: {  	s0 =	sand.u32 $0x1, s1  }
0x8c: {  	s16 =	sshll.u32 s0, $0xA;
	s2 =	sadd.s32 s3, s2  }
0x8d: {  	s2 =	sadd.s32 s2, s16  }
0x8e: {  	[smem:$0x3FB8] =	sst s2  }
0x8f: {  	_ = 	snop  }
0x90: {  	(tm) =	ssettm $0x1  }
0x91: {  	s17 =	sld [smem:$0x3FFB];
	_ =	sdelay $0x3  }
0x92: {  	_ =	strace s17  }
0x93: {  	s2 =	sld [smem:$0x3FFC];
	_ =	sdelay $0x3  }
0x94: {  	_ =	strace s2  }
0x95: {  	s2 =	sld [smem:$0x3FFD];
	_ =	sdelay $0x3  }
0x96: {  	_ =	strace s2  }
0x97: {  	_ =	strace $0x8FFFFFFF  }
0x98: {  	s18 =	sld [smem:$0x3FDB];
	_ =	sdelay $0x1  }
0x99: {  	s19 =	simm.s32 $_scs_section_size  }
0x9a: {  	s4 =	simm.s32 $_size__tile_overlayer_lowered;
	s5 =	simm.s32 $_tile_overlayer_lowered  }
0x9b: {  	s22 =	simm.s32 $0x1BFF;
	s21 =	sshll.u32 s5, $0x1;
	s2 =	sadd.s32 s19, s18  }
0x9c: {  	s6 =	simm.s32 $0x0;
	s20 =	sshll.u32 s4, $0x1;
	s4 =	sadd.s32 s21, s2  }
0x9d: {  	[timem:s6], [sflag:s22] =	dma.local [hbm:s4], s20  }
0x9e: {  	_ =	swait.ge [sflag:s22], s20  }
0x9f: {  	s3 =	ssub.s32 $0x0, s20;
	[sflag:s22] =	ssyncset.done $0x0  }
0xa0: {  	[sflag:s22] =	ssyncadd.s32 s3;
	_ =	sdelay $0x1  }
0xa1: {  	s23 =	simm.s32 $0x1B8B  }
0xa2: {  	_ =	swait.ge [sflag:s23], $0x1  }
0xa3: {  	[sflag:s23] =	ssyncset.done $0x0  }
0xa4: {  	s25 =	simm.s32 $0x1B8E;
	s24 =	sld [smem:$0x3FFE];
	[sflag:s23] =	ssyncadd.s32 $0xFFFFFFFF  }
0xa5: {  	s26 =	simm.s32 $execute0_lowered;
	[smem:$0x3FD2] =	sst s25  }
0xa6: {  	s4 =	sshll.u32 s26, $0x1;
	_ =	strace $0x80000046;
	[dreg:$0x1] =	wrdreg $0xFFFFFFFF  }
0xa7: {  	s28 =	simm.s32 $_size_execute0_lowered;
	s2 =	sadd.s32 s2, s4;
	[dreg:$0x0] =	wrdreg $0x0  }
0xa8: {  	s4 =	sshll.u32 s28, $0x1;
	[dreg:$0x2] =	wrdreg s2  }
0xa9: {  	[dreg:$0x3] =	wrdreg s4  }
0xaa: {  	[dreg:$0x4] =	wrdreg $0xC0  }
0xab: {  	_ =	task [dreg:s6], $0x5FFFF  }
0xac: {  	[dreg:$0x1] =	wrdreg $0xFFFFFFFF  }
0xad: {  	[dreg:$0x0] =	wrdreg $0x60  }
0xae: {  	[dreg:$0x2] =	wrdreg s24  }
0xaf: {  	[dreg:$0x3] =	wrdreg $0x40800  }
0xb0: {  	[dreg:$0x4] =	wrdreg $0x9  }
0xb1: {  	_ =	task.clear_ibuf [dreg:s6], $0x5FFFF;
	_ =	strace $0x90000046  }
0xb2: {  	s29 =	simm.s32 $0x9;
	_ =	strace $0x80000048  }
0xb3: {  	_ =	swait.ge [sflag:s29], $0x1  }
0xb4: {  	[sflag:s29] =	ssyncadd.s32 $0xFFFFFFFF  }
0xb5: {  	_ =	strace $0x90000048  }
0xb6: {  	_ =	sfence  }
0xb7: {  	s30 =	sld [smem:$0x0];
	_ =	sdelay $0x2  }
0xb8: {  	s31 =	sshll.u32 s1, $0xD;
	s1 =	sshrl.u32 s1, $0x2  }
0xb9: {  	s3 =	sand.u32 $0x4000, s31;
	s1 =	sadd.s32 s1, s30  }
0xba: {  	s0 =	sor.u32 s3, s0;
	s1 =	sshll.u32 s1, $0x11  }
0xbb: {  	s0 =	sor.u32 s1, s0  }
0xbc: {  	s0 =	sadd.s32 $0x8F2B, s0  }
0xbd: {  	[sflag:s0] =	ssyncadd.remote.s32 $0x1  }
0xbe: {  	_ =	sfence.sel $0xFFFF  }
0xbf: {  	[dreg:$0x0] =	wrdreg $0xFFFFFFFF;
	(pc) =	sbr.abs _section_cstart, $3  }
0xc0: {  	[dreg:$0x1] =	wrdreg $0xFFFFFFFF  }
0xc1: {  	_ =	task.clear_ibuf [dreg:s6], $0x2FFFF;
	_ =	strace $0x9FFFFFFF  }
0xc2: {  	(tm) =	ssettm $0x7FFFFFFF  }
0xc3: {  	_ =	shalt  }
tec
execute0_lowered:
.L_overlay_start_1:
0x0: {  	(tag) =	ssettag $0x1  }
0x1: {  	s5 =	rddreg [dreg:$0x0];
	s1 =	stileid.u32  }
0x2: {  	s0 =	srdreg.scid;
	s7 =	smul.u32 $0x14000, s1  }
0x3: {  	s2 =	rddreg [dreg:$0x1];
	s3 =	simm.s32 $0x0;
	s26 =	smul.u32 $0x50000, s1  }
0x4: {  	s12 =	simm.s32 $0x80;
	s4 =	sand.u32 $0x1, s0;
	s30 =	smul.u32 $0x4F0, s1  }
0x5: {  	s13 =	simm.s32 $0x0;
	s0 =	rddreg [dreg:$0x2];
	s6 =	smul.u32 $0x4F00, s4  }
0x6: {  	[smem:$0x7FF] =	sst s3;
	s31 =	sshll.u32 s1, $0x6;
	s8 =	smul.u32 $0x140000, s4  }
0x7: {  	_ =	strace $0x80000047;
	s25 =	ssub.s32 $0x2, s4;
	s4 =	sadd.s32 $0x37600, s5  }
0x8: {  	s9 =	sshrl.u32 s7, $0x3;
	s28 =	sshrl.u32 s25, $0x1;
	s29 =	sshrl.u32 s26, $0x2  }
0x9: {  	s10 =	sadd.s32 s6, s5;
	s24 =	sadd.s32 s9, s5;
	s7 =	sadd.s32 s7, s8  }
0xa: {  	s8 =	ssub.s32 s25, s28;
	s11 =	sadd.s32 s29, s2;
	s6 =	sor.u32 $0x1C01, s31  }
0xb: {  	s7 =	sshrl.u32 s7, $0x3;
	s9 =	sadd.s32 s30, s10;
	s8 =	smax.u32 s8, $0x1  }
0xc: {  	s10 =	sshrl.u32 s11, $0x3;
	s11 =	simm.s32 $0x1;
	s7 =	sadd.s32 s7, s5  }
0xd: {  	s5 =	sadd.s32 $0xF600, s24;
	s9 =	sadd.s32 $0x5800, s9;
	s7 =	sadd.s32 $0x37E00, s7  }
.LBB2_1:
0xe: {  	[spmem:s10], [sflag:s6] =	dma.local [hbm:s5], $0x2800  }
0xf: {  	_ =	swait.ge [sflag:s11], $0x2800  }
0x10: {  	[sflag:s11] =	ssyncset.done $0x0  }
0x11: {  	[sflag:s11] =	ssyncadd.s32 $0xFFFFD800  }
0x12: {  	[tilespmem:s12], [sflag:$0x1] =	stream.linear.gather [hbm4b:s4+s3], $0x4000, $0x38;
	[tilespmem:$0x18080] =	vst v63  }
0x13: {  	_ =	swait.ge [sflag:s11], $0x4000  }
0x14: {  	[sflag:s11] =	ssyncset.done $0x0  }
0x15: {  	[sflag:s11] =	ssyncadd.s32 $0xFFFFC000  }
0x16: {  	s14 =	sadd.s32 $0x0, s9;
	[bflag:$0x0] =	sbarrier.arrive $0xFFFF  }
0x17: {  	[tilespmem:s3], [sflag:$0x1] =	stream.linear.gather [hbm4b:s14+s3], $0x80, $0x38;
	[tilespmem:$0x18080] =	vst v63  }
0x18: {  	_ =	swait.ge [sflag:s11], $0x80  }
0x19: {  	[sflag:s11] =	ssyncset.done $0x0  }
0x1a: {  	[sflag:s11] =	ssyncadd.s32 $0xFFFFFF80  }
0x1b: {  	[spmem:s2] =	stream.indirect.scatter.add.f32 [tilespmem:s12], [sflag:$0x1], $0x80, s3, s12, $0xb8;
	[tilespmem:$0x18080] =	vst v63  }
0x1c: {  	_ =	swait.ge [sflag:s11], $0x4000  }
0x1d: {  	s15 =	simm.s32 $0x20;
	s14 =	simm.s32 $0x10;
	[sflag:s11] =	ssyncset.done $0x0  }
.LBB2_2:
0x1e: {  	s16 =	sadd.s32 s14, s9  }
0x1f: {  	[sflag:s11] =	ssyncadd.s32 $0xFFFFC000;
	s14 =	smov.u32 s15;
	s17 =	sadd.s32 $0x10, s15  }
0x20: {  	[tilespmem:s3], [sflag:$0x1] =	stream.linear.gather [hbm4b:s16+s3], $0x80, $0x38;
	[tilespmem:$0x18080] =	vst v63  }
0x21: {  	p0 =	sne.s32 s15, $0x4E0;
	_ =	swait.ge [sflag:s11], $0x80  }
.Ltmp0:
0x22: {  	[sflag:s11] =	ssyncset.done $0x0;
	(pc) =	sbr.rel @p0 .LBB2_2-.Ltmp0, $4  }
0x23: {  	[sflag:s11] =	ssyncadd.s32 $0xFFFFFF80  }
0x24: {  	[spmem:s2] =	stream.indirect.scatter.add.f32 [tilespmem:s12], [sflag:$0x1], $0x80, s3, s12, $0xb8;
	[tilespmem:$0x18080] =	vst v63  }
0x25: {  	_ =	swait.ge [sflag:s11], $0x4000  }
0x26: {  	s15 =	smov.u32 s17;
	[sflag:s11] =	ssyncset.done $0x0  }
0x27: {  	s14 =	sadd.s32 s14, s9;
	[sflag:s11] =	ssyncadd.s32 $0xFFFFC000  }
0x28: {  	[tilespmem:s3], [sflag:$0x1] =	stream.linear.gather [hbm4b:s14+s3], $0x80, $0x38;
	[tilespmem:$0x18080] =	vst v63  }
0x29: {  	_ =	swait.ge [sflag:s11], $0x80  }
0x2a: {  	[sflag:s11] =	ssyncset.done $0x0  }
0x2b: {  	[sflag:s11] =	ssyncadd.s32 $0xFFFFFF80  }
0x2c: {  	[spmem:s2] =	stream.indirect.scatter.add.f32 [tilespmem:s12], [sflag:$0x1], $0x80, s3, s12, $0xb8;
	[tilespmem:$0x18080] =	vst v63  }
0x2d: {  	_ =	swait.ge [sflag:s11], $0x4000  }
0x2e: {  	s13 =	sadd.s32 $0x1, s13;
	[sflag:s11] =	ssyncset.done $0x0  }
0x2f: {  	p0 =	sne.s32 s13, s8;
	[sflag:s11] =	ssyncadd.s32 $0xFFFFC000  }
.Ltmp1:
0x30: {  	[bflag:$0x0] =	sbarrier.arrive $0xFFFF;
	(pc) =	sbr.rel @p0 .LBB2_1-.Ltmp1, $4  }
0x31: {  	[hbm:s7], [sflag:s6] =	dma.local [spmem:s10], $0x2800  }
0x32: {  	_ =	swait.ge [sflag:s11], $0x2800  }
0x33: {  	[sflag:s11] =	ssyncset.done $0x0  }
0x34: {  	[sflag:s11] =	ssyncadd.s32 $0xFFFFD800  }
0x35: {  	_ =	sfence.sel $0x180000  }
0x36: {  	[bflag:$0x0] =	sbarrier.arrive $0xFFFF  }
0x37: {  	p0 =	sne.s32 s1, $0x0;
	_ =	strace $0x90000047  }
0x38: {  	s0 =	sadd.s32 @!p0 $0x100000, s0;
	[bflag:$0x2] =	sbarrier.arrive $0xFFFF  }
0x39: {  	[sflag:s0] =	ssyncadd.tile.s32 @!p0 $0x1;
	_ =	shalt  }
.Lfunc_end2:
_tile_overlayer_lowered:
.L_overlay_start_2:
0x3a: {  	(tag) =	ssettag $0x2  }
0x3b: {  	s0 =	rddreg [dreg:$0x0];
	s2 =	stileid.u32  }
0x3c: {  	s1 =	rddreg [dreg:$0x1];
	p0 =	sne.s32 s2, $0x0  }
0x3d: {  	s3 =	rddreg [dreg:$0x2];
	[bflag:$0x3] =	sbarrier.arrive $0xFFFF;
	s2 =	simm.s32 @!p0 $0x1C01  }
0x3e: {  	[timem:s3], [sflag:s2] =	dma.local @!p0 [hbm:s0], s1  }
0x3f: {  	s0 =	simm.s32 @!p0 $0x1  }
0x40: {  	_ =	swait.ge @!p0 [sflag:s0], s1  }
0x41: {  	s1 =	ssub.s32 @!p0 $0x0, s1;
	[sflag:s0] =	ssyncset.done @!p0 $0x0  }
0x42: {  	[sflag:s0] =	ssyncadd.s32 @!p0 s1  }
0x43: {  	[bflag:$0x3] =	sbarrier.arrive $0xFFFF  }
0x44: {  	_ =	shalt  }

// kernel: kernel.13.cloned.1.call-start
scs
__scs_entry_jumppad:
0x0: {  	(pc) =	sbr.rel $0x88, $3  }
0x1: {  	(tag) =	ssettag $0x0;
	lr =	simm.s32 $0x1  }
0x2: {  	[smem:$0x3F91] =	sst lr;
	_ =	strace $0xD0000000  }
0x3: {  	_ = 	snop  }
0x4: {  	_ = 	snop  }
0x5: {  	_ = 	snop  }
0x6: {  	_ = 	snop  }
0x7: {  	_ = 	snop  }
__scs_overlays_trampoline_lowered:
0x8: {  	[smem:$0x3FA0] =	sst s0  }
0x9: {  	[smem:$0x3FA1] =	sst s1  }
0xa: {  	[smem:$0x3FA2] =	sst s2  }
0xb: {  	[smem:$0x3FA3] =	sst s3  }
0xc: {  	[smem:$0x3FA4] =	sst s4  }
0xd: {  	[smem:$0x3FA5] =	sst s5  }
0xe: {  	[smem:$0x3FA6] =	sst s6  }
0xf: {  	[smem:$0x3FA7] =	sst s7  }
0x10: {  	[smem:$0x3FA8] =	sst s8  }
0x11: {  	[smem:$0x3FA9] =	sst s9;
	s0 =	simm.s32 @!p0 $0x0  }
0x12: {  	s1 =	sld [smem:$0x3F8F];
	s0 =	simm.s32 @p0 $0x1  }
0x13: {  	[smem:$0x3FAA] =	sst s0;
	s0 =	simm.s32 @!p1 $0x0  }
0x14: {  	s2 =	sld [smem:$0x3F8E];
	s0 =	simm.s32 @p1 $0x1  }
0x15: {  	[smem:$0x3FAB] =	sst s0;
	s0 =	simm.s32 @!p2 $0x0  }
0x16: {  	s3 =	sld [smem:$0x3FDB];
	s0 =	simm.s32 @p2 $0x1  }
0x17: {  	s4 =	simm.s32 $0x1BF5;
	[smem:$0x3FAD] =	sst s0  }
0x18: {  	s0 =	sld [smem:$0x3F90];
	_ =	swait.ge [sflag:s4], $0x0  }
0x19: {  	s7 =	sld [smem:$0x3F91]  }
0x1a: {  	s8 =	sadd.s32 $0xFFFFE003, lr  }
0x1b: {  	s9 =	sadd.s32 $0xFFFFFEF7, lr;
	s5 =	simm.s32 $0xFFFFFFFF;
	p2 =	slt.u32 s8, $0xFFFFF086  }
0x1c: {  	p1 =	slt.u32 s9, $0xF7A;
	s5 =	simm.s32 @!p2 $0x0  }
0x1d: {  	s5 =	simm.s32 @p1 $0x1;
	p0 =	seq.s32 s7, s2  }
0x1e: {  	s7 =	smul.u32 @!p0 $0xF7A, s2;
	p2 =	seq.s32 @!p0 s5, $0x0  }
0x1f: {  	s9 =	smul.u32 $0xF7A, s1;
	s8 =	simm.s32 @!p0 $0x1BF5;
	p2 =	por !p2, p0  }
0x20: {  	[sflag:s8] =	ssyncset.s32 @!p0 $0xFFFFF086;
	s6 =	sadd.s32 @!p0 s3, s7;
	s7 =	simm.s32 @!p0 $0x108  }
0x21: {  	s3 =	sadd.s32 s3, s9;
	s6 =	sadd.s32 @!p0 $0x88, s6;
	s7 =	simm.s32 @p2 $0x1082  }
0x22: {  	[simem:s7], [sflag:s8] =	dma.local @!p0 [hbm:s6], $0xF7A  }
0x23: {  	s9 =	sor.u32 $0xD0000000, s2;
	s6 =	simm.s32 $0x108;
	_ =	swait.ge @!p0 [sflag:s8], $0x0  }
0x24: {  	s3 =	sadd.s32 $0x88, s3;
	s6 =	simm.s32 @!p1 $0x1082;
	[sflag:s4] =	ssyncset.s32 $0xFFFFF086  }
0x25: {  	[simem:s6], [sflag:s4] =	dma.local [hbm:s3], $0xF7A  }
0x26: {  	[smem:$0x3F91] =	sst s1;
	(tag) =	ssettag s2;
	_ =	strace s9  }
0x27: {  	s1 =	sld [smem:$0x3FA1]  }
0x28: {  	s2 =	sld [smem:$0x3FA2]  }
0x29: {  	s4 =	sld [smem:$0x3FA4]  }
0x2a: {  	p0 =	seq.s32 s5, $0x0;
	s5 =	sld [smem:$0x3FA5]  }
0x2b: {  	s6 =	sld [smem:$0x3FA6]  }
0x2c: {  	s7 =	sld [smem:$0x3FA7]  }
0x2d: {  	s3 =	simm.s32 $0x108;
	s8 =	sld [smem:$0x3FA8]  }
0x2e: {  	s3 =	simm.s32 @!p0 $0x1082;
	s9 =	sld [smem:$0x3FA9]  }
0x2f: {  	lr =	sadd.s32 s0, s3;
	s0 =	sld [smem:$0x3FA0]  }
0x30: {  	s3 =	sld [smem:$0x3FA3]  }
0x31: {  	[smem:$0x3FAC] =	sst s10  }
0x32: {  	s10 =	sld [smem:$0x3FAA];
	_ =	sdelay $0x3  }
0x33: {  	p0 =	seq.s32 s10, $0x1;
	s10 =	sld [smem:$0x3FAC];
	_ =	sdelay $0x3  }
0x34: {  	[smem:$0x3FAC] =	sst s10  }
0x35: {  	s10 =	sld [smem:$0x3FAB];
	_ =	sdelay $0x3  }
0x36: {  	p1 =	seq.s32 s10, $0x1;
	s10 =	sld [smem:$0x3FAC];
	_ =	sdelay $0x3  }
0x37: {  	[smem:$0x3FAC] =	sst s10  }
0x38: {  	s10 =	sld [smem:$0x3FAD]  }
0x39: {  	_ = 	snop;
	(pc) =	sbr.ind lr, $3  }
0x3a: {  	_ = 	snop  }
0x3b: {  	_ = 	snop  }
0x3c: {  	p2 =	seq.s32 s10, $0x1;
	s10 =	sld [smem:$0x3FAC]  }
0x3d: {  	_ =	shalt  }
0x3e: {  	_ =	shalt  }
0x3f: {  	_ =	shalt  }
0x40: {  	_ =	shalt  }
0x41: {  	_ =	shalt  }
0x42: {  	_ =	shalt  }
0x43: {  	_ =	shalt  }
0x44: {  	_ =	shalt  }
0x45: {  	_ =	shalt  }
0x46: {  	_ =	shalt  }
0x47: {  	_ =	shalt  }
0x48: {  	_ =	shalt  }
0x49: {  	_ =	shalt  }
0x4a: {  	_ =	shalt  }
0x4b: {  	_ =	shalt  }
0x4c: {  	_ =	shalt  }
0x4d: {  	_ =	shalt  }
0x4e: {  	_ =	shalt  }
0x4f: {  	_ =	shalt  }
0x50: {  	_ =	shalt  }
0x51: {  	_ =	shalt  }
0x52: {  	_ =	shalt  }
0x53: {  	_ =	shalt  }
0x54: {  	_ =	shalt  }
0x55: {  	_ =	shalt  }
0x56: {  	_ =	shalt  }
0x57: {  	_ =	shalt  }
0x58: {  	_ =	shalt  }
0x59: {  	_ =	shalt  }
0x5a: {  	_ =	shalt  }
0x5b: {  	_ =	shalt  }
0x5c: {  	_ =	shalt  }
0x5d: {  	_ =	shalt  }
0x5e: {  	_ =	shalt  }
0x5f: {  	_ =	shalt  }
0x60: {  	_ =	shalt  }
0x61: {  	_ =	shalt  }
0x62: {  	_ =	shalt  }
0x63: {  	_ =	shalt  }
0x64: {  	_ =	shalt  }
0x65: {  	_ =	shalt  }
0x66: {  	_ =	shalt  }
0x67: {  	_ =	shalt  }
0x68: {  	_ =	shalt  }
0x69: {  	_ =	shalt  }
0x6a: {  	_ =	shalt  }
0x6b: {  	_ =	shalt  }
0x6c: {  	_ =	shalt  }
0x6d: {  	_ =	shalt  }
0x6e: {  	_ =	shalt  }
0x6f: {  	_ =	shalt  }
0x70: {  	_ =	shalt  }
0x71: {  	_ =	shalt  }
0x72: {  	_ =	shalt  }
0x73: {  	_ =	shalt  }
0x74: {  	_ =	shalt  }
0x75: {  	_ =	shalt  }
0x76: {  	_ =	shalt  }
0x77: {  	_ =	shalt  }
0x78: {  	_ =	shalt  }
0x79: {  	_ =	shalt  }
0x7a: {  	_ =	shalt  }
0x7b: {  	_ =	shalt  }
0x7c: {  	_ =	shalt  }
0x7d: {  	_ =	shalt  }
0x7e: {  	_ =	shalt  }
0x7f: {  	_ =	shalt  }
0x80: {  	_ =	shalt  }
0x81: {  	_ =	shalt  }
0x82: {  	_ =	shalt  }
0x83: {  	_ =	shalt  }
0x84: {  	_ =	shalt  }
0x85: {  	_ =	shalt  }
0x86: {  	_ =	shalt  }
0x87: {  	_ =	shalt  }
.Lfunc_end0:
.L_simem_size_0:
called_computation.1_lowered:
.L_overlay_start_0:
0x88: {  	s2 =	sld [smem:$0x3FD9]  }
0x89: {  	s3 =	sld [smem:$0x3FFE];
	_ =	sdelay $0x1  }
0x8a: {  	s1 =	srdreg.scid  }
0x8b: {  	s0 =	sand.u32 $0x1, s1  }
0x8c: {  	s16 =	sshll.u32 s0, $0xA;
	s2 =	sadd.s32 s3, s2  }
0x8d: {  	s2 =	sadd.s32 s2, s16  }
0x8e: {  	[smem:$0x3FB8] =	sst s2  }
0x8f: {  	_ = 	snop  }
0x90: {  	(tm) =	ssettm $0x1  }
0x91: {  	s17 =	sld [smem:$0x3FFB];
	_ =	sdelay $0x3  }
0x92: {  	_ =	strace s17  }
0x93: {  	s2 =	sld [smem:$0x3FFC];
	_ =	sdelay $0x3  }
0x94: {  	_ =	strace s2  }
0x95: {  	s2 =	sld [smem:$0x3FFD];
	_ =	sdelay $0x3  }
0x96: {  	_ =	strace s2  }
0x97: {  	_ =	strace $0x8FFFFFFF  }
0x98: {  	s18 =	sld [smem:$0x3FDB];
	_ =	sdelay $0x1  }
0x99: {  	s19 =	simm.s32 $_scs_section_size  }
0x9a: {  	s4 =	simm.s32 $_size__tile_overlayer_lowered;
	s5 =	simm.s32 $_tile_overlayer_lowered  }
0x9b: {  	s22 =	simm.s32 $0x1BFF;
	s21 =	sshll.u32 s5, $0x1;
	s2 =	sadd.s32 s19, s18  }
0x9c: {  	s6 =	simm.s32 $0x0;
	s20 =	sshll.u32 s4, $0x1;
	s4 =	sadd.s32 s21, s2  }
0x9d: {  	[timem:s6], [sflag:s22] =	dma.local [hbm:s4], s20  }
0x9e: {  	_ =	swait.ge [sflag:s22], s20  }
0x9f: {  	s3 =	ssub.s32 $0x0, s20;
	[sflag:s22] =	ssyncset.done $0x0  }
0xa0: {  	[sflag:s22] =	ssyncadd.s32 s3;
	_ =	sdelay $0x1  }
0xa1: {  	s23 =	simm.s32 $0x1B8B  }
0xa2: {  	_ =	swait.ge [sflag:s23], $0x1  }
0xa3: {  	[sflag:s23] =	ssyncset.done $0x0  }
0xa4: {  	s25 =	simm.s32 $0x1B8E;
	s24 =	sld [smem:$0x3FFE];
	[sflag:s23] =	ssyncadd.s32 $0xFFFFFFFF  }
0xa5: {  	s26 =	simm.s32 $execute0_lowered;
	[smem:$0x3FD2] =	sst s25  }
0xa6: {  	s4 =	sshll.u32 s26, $0x1;
	_ =	strace $0x80000049;
	[dreg:$0x1] =	wrdreg $0xFFFFFFFF  }
0xa7: {  	s28 =	simm.s32 $_size_execute0_lowered;
	s2 =	sadd.s32 s2, s4;
	[dreg:$0x0] =	wrdreg $0x0  }
0xa8: {  	s4 =	sshll.u32 s28, $0x1;
	[dreg:$0x2] =	wrdreg s2  }
0xa9: {  	[dreg:$0x3] =	wrdreg s4  }
0xaa: {  	[dreg:$0x4] =	wrdreg $0xC0  }
0xab: {  	_ =	task [dreg:s6], $0x5FFFF  }
0xac: {  	[dreg:$0x1] =	wrdreg $0xFFFFFFFF  }
0xad: {  	[dreg:$0x0] =	wrdreg $0x60  }
0xae: {  	[dreg:$0x2] =	wrdreg s24  }
0xaf: {  	[dreg:$0x3] =	wrdreg $0x41000  }
0xb0: {  	[dreg:$0x4] =	wrdreg $0x9  }
0xb1: {  	_ =	task.clear_ibuf [dreg:s6], $0x5FFFF;
	_ =	strace $0x90000049  }
0xb2: {  	s29 =	simm.s32 $0x9;
	_ =	strace $0x8000004B  }
0xb3: {  	_ =	swait.ge [sflag:s29], $0x1  }
0xb4: {  	[sflag:s29] =	ssyncadd.s32 $0xFFFFFFFF  }
0xb5: {  	_ =	strace $0x9000004B  }
0xb6: {  	_ =	sfence  }
0xb7: {  	s30 =	sld [smem:$0x0];
	_ =	sdelay $0x2  }
0xb8: {  	s31 =	sshll.u32 s1, $0xD;
	s1 =	sshrl.u32 s1, $0x2  }
0xb9: {  	s3 =	sand.u32 $0x4000, s31;
	s1 =	sadd.s32 s1, s30  }
0xba: {  	s0 =	sor.u32 s3, s0;
	s1 =	sshll.u32 s1, $0x11  }
0xbb: {  	s0 =	sor.u32 s1, s0  }
0xbc: {  	s0 =	sadd.s32 $0x8F2B, s0  }
0xbd: {  	[sflag:s0] =	ssyncadd.remote.s32 $0x1  }
0xbe: {  	_ =	sfence.sel $0xFFFF  }
0xbf: {  	[dreg:$0x0] =	wrdreg $0xFFFFFFFF;
	(pc) =	sbr.abs _section_cstart, $3  }
0xc0: {  	[dreg:$0x1] =	wrdreg $0xFFFFFFFF  }
0xc1: {  	_ =	task.clear_ibuf [dreg:s6], $0x2FFFF;
	_ =	strace $0x9FFFFFFF  }
0xc2: {  	(tm) =	ssettm $0x7FFFFFFF  }
0xc3: {  	_ =	shalt  }
tec
execute0_lowered:
.L_overlay_start_1:
0x0: {  	(tag) =	ssettag $0x1  }
0x1: {  	s5 =	rddreg [dreg:$0x0];
	s0 =	srdreg.scid  }
0x2: {  	s2 =	rddreg [dreg:$0x1];
	s1 =	stileid.u32  }
0x3: {  	s3 =	simm.s32 $0x0;
	s13 =	simm.s32 $0x80;
	s7 =	smul.u32 $0x14000, s1  }
0x4: {  	s14 =	simm.s32 $0x100;
	s15 =	simm.s32 $0x1;
	s25 =	smul.u32 $0x50000, s1  }
0x5: {  	s6 =	sand.u32 $0x1, s0;
	s0 =	rddreg [dreg:$0x2];
	s29 =	smul.u32 $0x4F0, s1  }
0x6: {  	s16 =	simm.s32 $0x0;
	[smem:$0x7FF] =	sst s3;
	s4 =	smul.u32 $0x4F00, s6  }
0x7: {  	s30 =	sshll.u32 s1, $0x6;
	s8 =	smul.u32 $0x140000, s6;
	s6 =	ssub.s32 $0x2, s6  }
0x8: {  	_ =	strace $0x8000004A;
	s10 =	sshrl.u32 s7, $0x3;
	s26 =	sshrl.u32 s6, $0x1  }
0x9: {  	s28 =	sshrl.u32 s25, $0x2;
	s9 =	sadd.s32 s4, s5;
	s4 =	sadd.s32 $0x91C00, s5  }
0xa: {  	s7 =	sadd.s32 s7, s8;
	s10 =	sadd.s32 s10, s5;
	s11 =	ssub.s32 s6, s26  }
0xb: {  	s12 =	sadd.s32 s28, s2;
	s6 =	sor.u32 $0x1C02, s30;
	s7 =	sshrl.u32 s7, $0x3  }
0xc: {  	s31 =	sadd.s32 s29, s9;
	s8 =	smax.u32 s11, $0x1;
	s11 =	sshrl.u32 s12, $0x3  }
0xd: {  	s12 =	simm.s32 $0x2;
	s7 =	sadd.s32 s7, s5;
	s5 =	sadd.s32 $0xF600, s10  }
0xe: {  	s9 =	sadd.s32 $0x5800, s31;
	s10 =	sadd.s32 $0x87E00, s31;
	s7 =	sadd.s32 $0xB9C00, s7  }
.LBB2_1:
0xf: {  	[spmem:s11], [sflag:s6] =	dma.local [hbm:s5], $0x2800  }
0x10: {  	_ =	swait.ge [sflag:s12], $0x2800  }
0x11: {  	[sflag:s12] =	ssyncset.done $0x0  }
0x12: {  	[sflag:s12] =	ssyncadd.s32 $0xFFFFD800  }
0x13: {  	s17 =	sadd.s32 $0x0, s10;
	[bflag:$0x0] =	sbarrier.arrive $0xFFFF  }
0x14: {  	[tilespmem:s3], [sflag:$0x2] =	stream.linear.gather [hbm4b:s17+s3], $0x80, $0x38;
	[tilespmem:$0x18100] =	vst v63  }
0x15: {  	_ =	swait.ge [sflag:s12], $0x80  }
0x16: {  	[sflag:s12] =	ssyncset.done $0x0  }
0x17: {  	[sflag:s12] =	ssyncadd.s32 $0xFFFFFF80  }
0x18: {  	[tilespmem:s14], [sflag:$0x1] =	stream.indirect.gather [hbm4b:s4+s13], $0x80, s3, s13, $0xb8;
	[tilespmem:$0x18100] =	vst v63  }
0x19: {  	_ =	swait.ge [sflag:s15], $0x4000  }
0x1a: {  	[sflag:s15] =	ssyncset.done $0x0  }
0x1b: {  	s31 =	sadd.s32 $0x0, s9;
	[sflag:s15] =	ssyncadd.s32 $0xFFFFC000  }
0x1c: {  	[tilespmem:s13], [sflag:$0x2] =	stream.linear.gather [hbm4b:s31+s3], $0x80, $0x38;
	[tilespmem:$0x18100] =	vst v63  }
0x1d: {  	_ =	swait.ge [sflag:s12], $0x80  }
0x1e: {  	[sflag:s12] =	ssyncset.done $0x0  }
0x1f: {  	[sflag:s12] =	ssyncadd.s32 $0xFFFFFF80  }
0x20: {  	[spmem:s2] =	stream.indirect.scatter.add.f32 [tilespmem:s14], [sflag:$0x2], $0x80, s13, s13, $0xb8;
	[tilespmem:$0x18100] =	vst v63  }
0x21: {  	_ =	swait.ge [sflag:s12], $0x4000  }
0x22: {  	s18 =	simm.s32 $0x20;
	s17 =	simm.s32 $0x10;
	[sflag:s12] =	ssyncset.done $0x0  }
.LBB2_2:
0x23: {  	s19 =	sadd.s32 s17, s10  }
0x24: {  	[sflag:s12] =	ssyncadd.s32 $0xFFFFC000;
	s20 =	smov.u32 s18;
	s21 =	sadd.s32 $0x10, s18  }
0x25: {  	[tilespmem:s3], [sflag:$0x2] =	stream.linear.gather [hbm4b:s19+s3], $0x80, $0x38;
	[tilespmem:$0x18100] =	vst v63  }
0x26: {  	p0 =	sne.s32 s18, $0x4E0;
	_ =	swait.ge [sflag:s12], $0x80  }
0x27: {  	[sflag:s12] =	ssyncset.done $0x0  }
0x28: {  	[sflag:s12] =	ssyncadd.s32 $0xFFFFFF80  }
0x29: {  	[tilespmem:s14], [sflag:$0x1] =	stream.indirect.gather [hbm4b:s4+s13], $0x80, s3, s13, $0xb8;
	[tilespmem:$0x18100] =	vst v63  }
0x2a: {  	_ =	swait.ge [sflag:s15], $0x4000  }
0x2b: {  	[sflag:s15] =	ssyncset.done $0x0  }
0x2c: {  	s18 =	sadd.s32 s17, s9;
	s17 =	smov.u32 s20;
	[sflag:s15] =	ssyncadd.s32 $0xFFFFC000  }
0x2d: {  	[tilespmem:s13], [sflag:$0x2] =	stream.linear.gather [hbm4b:s18+s3], $0x80, $0x38;
	[tilespmem:$0x18100] =	vst v63  }
0x2e: {  	_ =	swait.ge [sflag:s12], $0x80  }
.Ltmp0:
0x2f: {  	[sflag:s12] =	ssyncset.done $0x0;
	(pc) =	sbr.rel @p0 .LBB2_2-.Ltmp0, $4  }
0x30: {  	[sflag:s12] =	ssyncadd.s32 $0xFFFFFF80  }
0x31: {  	[spmem:s2] =	stream.indirect.scatter.add.f32 [tilespmem:s14], [sflag:$0x2], $0x80, s13, s13, $0xb8;
	[tilespmem:$0x18100] =	vst v63  }
0x32: {  	_ =	swait.ge [sflag:s12], $0x4000  }
0x33: {  	s18 =	smov.u32 s21;
	[sflag:s12] =	ssyncset.done $0x0  }
0x34: {  	s18 =	sadd.s32 s17, s10;
	[sflag:s12] =	ssyncadd.s32 $0xFFFFC000  }
0x35: {  	[tilespmem:s3], [sflag:$0x2] =	stream.linear.gather [hbm4b:s18+s3], $0x80, $0x38;
	[tilespmem:$0x18100] =	vst v63  }
0x36: {  	_ =	swait.ge [sflag:s12], $0x80  }
0x37: {  	[sflag:s12] =	ssyncset.done $0x0  }
0x38: {  	[sflag:s12] =	ssyncadd.s32 $0xFFFFFF80  }
0x39: {  	[tilespmem:s14], [sflag:$0x1] =	stream.indirect.gather [hbm4b:s4+s13], $0x80, s3, s13, $0xb8;
	[tilespmem:$0x18100] =	vst v63  }
0x3a: {  	_ =	swait.ge [sflag:s15], $0x4000  }
0x3b: {  	[sflag:s15] =	ssyncset.done $0x0  }
0x3c: {  	s31 =	sadd.s32 s17, s9;
	[sflag:s15] =	ssyncadd.s32 $0xFFFFC000  }
0x3d: {  	[tilespmem:s13], [sflag:$0x2] =	stream.linear.gather [hbm4b:s31+s3], $0x80, $0x38;
	[tilespmem:$0x18100] =	vst v63  }
0x3e: {  	_ =	swait.ge [sflag:s12], $0x80  }
0x3f: {  	[sflag:s12] =	ssyncset.done $0x0  }
0x40: {  	[sflag:s12] =	ssyncadd.s32 $0xFFFFFF80  }
0x41: {  	[spmem:s2] =	stream.indirect.scatter.add.f32 [tilespmem:s14], [sflag:$0x2], $0x80, s13, s13, $0xb8;
	[tilespmem:$0x18100] =	vst v63  }
0x42: {  	_ =	swait.ge [sflag:s12], $0x4000  }
0x43: {  	s16 =	sadd.s32 $0x1, s16;
	[sflag:s12] =	ssyncset.done $0x0  }
0x44: {  	p0 =	sne.s32 s16, s8;
	[sflag:s12] =	ssyncadd.s32 $0xFFFFC000  }
.Ltmp1:
0x45: {  	[bflag:$0x0] =	sbarrier.arrive $0xFFFF;
	(pc) =	sbr.rel @p0 .LBB2_1-.Ltmp1, $4  }
0x46: {  	[hbm:s7], [sflag:s6] =	dma.local [spmem:s11], $0x2800  }
0x47: {  	_ =	swait.ge [sflag:s12], $0x2800  }
0x48: {  	[sflag:s12] =	ssyncset.done $0x0  }
0x49: {  	[sflag:s12] =	ssyncadd.s32 $0xFFFFD800  }
0x4a: {  	_ =	sfence.sel $0x180000  }
0x4b: {  	[bflag:$0x0] =	sbarrier.arrive $0xFFFF  }
0x4c: {  	p0 =	sne.s32 s1, $0x0;
	_ =	strace $0x9000004A  }
0x4d: {  	s0 =	sadd.s32 @!p0 $0x100000, s0;
	[bflag:$0x2] =	sbarrier.arrive $0xFFFF  }
0x4e: {  	[sflag:s0] =	ssyncadd.tile.s32 @!p0 $0x1;
	_ =	shalt  }
.Lfunc_end2:
_tile_overlayer_lowered:
.L_overlay_start_2:
0x4f: {  	(tag) =	ssettag $0x2  }
0x50: {  	s0 =	rddreg [dreg:$0x0];
	s2 =	stileid.u32  }
0x51: {  	s1 =	rddreg [dreg:$0x1];
	p0 =	sne.s32 s2, $0x0  }
0x52: {  	s3 =	rddreg [dreg:$0x2];
	[bflag:$0x3] =	sbarrier.arrive $0xFFFF;
	s2 =	simm.s32 @!p0 $0x1C02  }
0x53: {  	[timem:s3], [sflag:s2] =	dma.local @!p0 [hbm:s0], s1  }
0x54: {  	s0 =	simm.s32 @!p0 $0x2  }
0x55: {  	_ =	swait.ge @!p0 [sflag:s0], s1  }
0x56: {  	s1 =	ssub.s32 @!p0 $0x0, s1;
	[sflag:s0] =	ssyncset.done @!p0 $0x0  }
0x57: {  	[sflag:s0] =	ssyncadd.s32 @!p0 s1  }
0x58: {  	[bflag:$0x3] =	sbarrier.arrive $0xFFFF  }
0x59: {  	_ =	shalt  }

// kernel: kernel.16.cloned.1.call-start
scs
__scs_entry_jumppad:
0x0: {  	(pc) =	sbr.rel $0x88, $3  }
0x1: {  	(tag) =	ssettag $0x0;
	lr =	simm.s32 $0x1  }
0x2: {  	[smem:$0x3F91] =	sst lr;
	_ =	strace $0xD0000000  }
0x3: {  	_ = 	snop  }
0x4: {  	_ = 	snop  }
0x5: {  	_ = 	snop  }
0x6: {  	_ = 	snop  }
0x7: {  	_ = 	snop  }
__scs_overlays_trampoline_lowered:
0x8: {  	[smem:$0x3FA0] =	sst s0  }
0x9: {  	[smem:$0x3FA1] =	sst s1  }
0xa: {  	[smem:$0x3FA2] =	sst s2  }
0xb: {  	[smem:$0x3FA3] =	sst s3  }
0xc: {  	[smem:$0x3FA4] =	sst s4  }
0xd: {  	[smem:$0x3FA5] =	sst s5  }
0xe: {  	[smem:$0x3FA6] =	sst s6  }
0xf: {  	[smem:$0x3FA7] =	sst s7  }
0x10: {  	[smem:$0x3FA8] =	sst s8  }
0x11: {  	[smem:$0x3FA9] =	sst s9;
	s0 =	simm.s32 @!p0 $0x0  }
0x12: {  	s1 =	sld [smem:$0x3F8F];
	s0 =	simm.s32 @p0 $0x1  }
0x13: {  	[smem:$0x3FAA] =	sst s0;
	s0 =	simm.s32 @!p1 $0x0  }
0x14: {  	s2 =	sld [smem:$0x3F8E];
	s0 =	simm.s32 @p1 $0x1  }
0x15: {  	[smem:$0x3FAB] =	sst s0;
	s0 =	simm.s32 @!p2 $0x0  }
0x16: {  	s3 =	sld [smem:$0x3FDB];
	s0 =	simm.s32 @p2 $0x1  }
0x17: {  	s4 =	simm.s32 $0x1BF5;
	[smem:$0x3FAD] =	sst s0  }
0x18: {  	s0 =	sld [smem:$0x3F90];
	_ =	swait.ge [sflag:s4], $0x0  }
0x19: {  	s7 =	sld [smem:$0x3F91]  }
0x1a: {  	s8 =	sadd.s32 $0xFFFFE003, lr  }
0x1b: {  	s9 =	sadd.s32 $0xFFFFFEF7, lr;
	s5 =	simm.s32 $0xFFFFFFFF;
	p2 =	slt.u32 s8, $0xFFFFF086  }
0x1c: {  	p1 =	slt.u32 s9, $0xF7A;
	s5 =	simm.s32 @!p2 $0x0  }
0x1d: {  	s5 =	simm.s32 @p1 $0x1;
	p0 =	seq.s32 s7, s2  }
0x1e: {  	s7 =	smul.u32 @!p0 $0xF7A, s2;
	p2 =	seq.s32 @!p0 s5, $0x0  }
0x1f: {  	s9 =	smul.u32 $0xF7A, s1;
	s8 =	simm.s32 @!p0 $0x1BF5;
	p2 =	por !p2, p0  }
0x20: {  	[sflag:s8] =	ssyncset.s32 @!p0 $0xFFFFF086;
	s6 =	sadd.s32 @!p0 s3, s7;
	s7 =	simm.s32 @!p0 $0x108  }
0x21: {  	s3 =	sadd.s32 s3, s9;
	s6 =	sadd.s32 @!p0 $0x88, s6;
	s7 =	simm.s32 @p2 $0x1082  }
0x22: {  	[simem:s7], [sflag:s8] =	dma.local @!p0 [hbm:s6], $0xF7A  }
0x23: {  	s9 =	sor.u32 $0xD0000000, s2;
	s6 =	simm.s32 $0x108;
	_ =	swait.ge @!p0 [sflag:s8], $0x0  }
0x24: {  	s3 =	sadd.s32 $0x88, s3;
	s6 =	simm.s32 @!p1 $0x1082;
	[sflag:s4] =	ssyncset.s32 $0xFFFFF086  }
0x25: {  	[simem:s6], [sflag:s4] =	dma.local [hbm:s3], $0xF7A  }
0x26: {  	[smem:$0x3F91] =	sst s1;
	(tag) =	ssettag s2;
	_ =	strace s9  }
0x27: {  	s1 =	sld [smem:$0x3FA1]  }
0x28: {  	s2 =	sld [smem:$0x3FA2]  }
0x29: {  	s4 =	sld [smem:$0x3FA4]  }
0x2a: {  	p0 =	seq.s32 s5, $0x0;
	s5 =	sld [smem:$0x3FA5]  }
0x2b: {  	s6 =	sld [smem:$0x3FA6]  }
0x2c: {  	s7 =	sld [smem:$0x3FA7]  }
0x2d: {  	s3 =	simm.s32 $0x108;
	s8 =	sld [smem:$0x3FA8]  }
0x2e: {  	s3 =	simm.s32 @!p0 $0x1082;
	s9 =	sld [smem:$0x3FA9]  }
0x2f: {  	lr =	sadd.s32 s0, s3;
	s0 =	sld [smem:$0x3FA0]  }
0x30: {  	s3 =	sld [smem:$0x3FA3]  }
0x31: {  	[smem:$0x3FAC] =	sst s10  }
0x32: {  	s10 =	sld [smem:$0x3FAA];
	_ =	sdelay $0x3  }
0x33: {  	p0 =	seq.s32 s10, $0x1;
	s10 =	sld [smem:$0x3FAC];
	_ =	sdelay $0x3  }
0x34: {  	[smem:$0x3FAC] =	sst s10  }
0x35: {  	s10 =	sld [smem:$0x3FAB];
	_ =	sdelay $0x3  }
0x36: {  	p1 =	seq.s32 s10, $0x1;
	s10 =	sld [smem:$0x3FAC];
	_ =	sdelay $0x3  }
0x37: {  	[smem:$0x3FAC] =	sst s10  }
0x38: {  	s10 =	sld [smem:$0x3FAD]  }
0x39: {  	_ = 	snop;
	(pc) =	sbr.ind lr, $3  }
0x3a: {  	_ = 	snop  }
0x3b: {  	_ = 	snop  }
0x3c: {  	p2 =	seq.s32 s10, $0x1;
	s10 =	sld [smem:$0x3FAC]  }
0x3d: {  	_ =	shalt  }
0x3e: {  	_ =	shalt  }
0x3f: {  	_ =	shalt  }
0x40: {  	_ =	shalt  }
0x41: {  	_ =	shalt  }
0x42: {  	_ =	shalt  }
0x43: {  	_ =	shalt  }
0x44: {  	_ =	shalt  }
0x45: {  	_ =	shalt  }
0x46: {  	_ =	shalt  }
0x47: {  	_ =	shalt  }
0x48: {  	_ =	shalt  }
0x49: {  	_ =	shalt  }
0x4a: {  	_ =	shalt  }
0x4b: {  	_ =	shalt  }
0x4c: {  	_ =	shalt  }
0x4d: {  	_ =	shalt  }
0x4e: {  	_ =	shalt  }
0x4f: {  	_ =	shalt  }
0x50: {  	_ =	shalt  }
0x51: {  	_ =	shalt  }
0x52: {  	_ =	shalt  }
0x53: {  	_ =	shalt  }
0x54: {  	_ =	shalt  }
0x55: {  	_ =	shalt  }
0x56: {  	_ =	shalt  }
0x57: {  	_ =	shalt  }
0x58: {  	_ =	shalt  }
0x59: {  	_ =	shalt  }
0x5a: {  	_ =	shalt  }
0x5b: {  	_ =	shalt  }
0x5c: {  	_ =	shalt  }
0x5d: {  	_ =	shalt  }
0x5e: {  	_ =	shalt  }
0x5f: {  	_ =	shalt  }
0x60: {  	_ =	shalt  }
0x61: {  	_ =	shalt  }
0x62: {  	_ =	shalt  }
0x63: {  	_ =	shalt  }
0x64: {  	_ =	shalt  }
0x65: {  	_ =	shalt  }
0x66: {  	_ =	shalt  }
0x67: {  	_ =	shalt  }
0x68: {  	_ =	shalt  }
0x69: {  	_ =	shalt  }
0x6a: {  	_ =	shalt  }
0x6b: {  	_ =	shalt  }
0x6c: {  	_ =	shalt  }
0x6d: {  	_ =	shalt  }
0x6e: {  	_ =	shalt  }
0x6f: {  	_ =	shalt  }
0x70: {  	_ =	shalt  }
0x71: {  	_ =	shalt  }
0x72: {  	_ =	shalt  }
0x73: {  	_ =	shalt  }
0x74: {  	_ =	shalt  }
0x75: {  	_ =	shalt  }
0x76: {  	_ =	shalt  }
0x77: {  	_ =	shalt  }
0x78: {  	_ =	shalt  }
0x79: {  	_ =	shalt  }
0x7a: {  	_ =	shalt  }
0x7b: {  	_ =	shalt  }
0x7c: {  	_ =	shalt  }
0x7d: {  	_ =	shalt  }
0x7e: {  	_ =	shalt  }
0x7f: {  	_ =	shalt  }
0x80: {  	_ =	shalt  }
0x81: {  	_ =	shalt  }
0x82: {  	_ =	shalt  }
0x83: {  	_ =	shalt  }
0x84: {  	_ =	shalt  }
0x85: {  	_ =	shalt  }
0x86: {  	_ =	shalt  }
0x87: {  	_ =	shalt  }
.Lfunc_end0:
.L_simem_size_0:
called_computation.2_lowered:
.L_overlay_start_0:
0x88: {  	s2 =	sld [smem:$0x3FD9]  }
0x89: {  	s3 =	sld [smem:$0x3FFE];
	_ =	sdelay $0x1  }
0x8a: {  	s1 =	srdreg.scid  }
0x8b: {  	s0 =	sand.u32 $0x1, s1  }
0x8c: {  	s16 =	sshll.u32 s0, $0xA;
	s2 =	sadd.s32 s3, s2  }
0x8d: {  	s2 =	sadd.s32 s2, s16  }
0x8e: {  	[smem:$0x3FB8] =	sst s2  }
0x8f: {  	_ = 	snop  }
0x90: {  	(tm) =	ssettm $0x1  }
0x91: {  	s17 =	sld [smem:$0x3FFB];
	_ =	sdelay $0x3  }
0x92: {  	_ =	strace s17  }
0x93: {  	s2 =	sld [smem:$0x3FFC];
	_ =	sdelay $0x3  }
0x94: {  	_ =	strace s2  }
0x95: {  	s2 =	sld [smem:$0x3FFD];
	_ =	sdelay $0x3  }
0x96: {  	_ =	strace s2  }
0x97: {  	_ =	strace $0x8FFFFFFF  }
0x98: {  	s18 =	sld [smem:$0x3FDB];
	_ =	sdelay $0x1  }
0x99: {  	s19 =	simm.s32 $_scs_section_size  }
0x9a: {  	s4 =	simm.s32 $_size__tile_overlayer_lowered;
	s5 =	simm.s32 $_tile_overlayer_lowered  }
0x9b: {  	s22 =	simm.s32 $0x1BFF;
	s21 =	sshll.u32 s5, $0x1;
	s2 =	sadd.s32 s19, s18  }
0x9c: {  	s6 =	simm.s32 $0x0;
	s20 =	sshll.u32 s4, $0x1;
	s4 =	sadd.s32 s21, s2  }
0x9d: {  	[timem:s6], [sflag:s22] =	dma.local [hbm:s4], s20  }
0x9e: {  	_ =	swait.ge [sflag:s22], s20  }
0x9f: {  	s3 =	ssub.s32 $0x0, s20;
	[sflag:s22] =	ssyncset.done $0x0  }
0xa0: {  	[sflag:s22] =	ssyncadd.s32 s3;
	_ =	sdelay $0x1  }
0xa1: {  	s23 =	simm.s32 $0x1B8B  }
0xa2: {  	_ =	swait.ge [sflag:s23], $0x1  }
0xa3: {  	[sflag:s23] =	ssyncset.done $0x0  }
0xa4: {  	s25 =	simm.s32 $0x1B8E;
	s24 =	sld [smem:$0x3FFE];
	[sflag:s23] =	ssyncadd.s32 $0xFFFFFFFF  }
0xa5: {  	s26 =	simm.s32 $execute0_lowered;
	[smem:$0x3FD2] =	sst s25  }
0xa6: {  	s4 =	sshll.u32 s26, $0x1;
	_ =	strace $0x8000004C;
	[dreg:$0x1] =	wrdreg $0xFFFFFFFF  }
0xa7: {  	s28 =	simm.s32 $_size_execute0_lowered;
	s2 =	sadd.s32 s2, s4;
	[dreg:$0x0] =	wrdreg $0x0  }
0xa8: {  	s4 =	sshll.u32 s28, $0x1;
	[dreg:$0x2] =	wrdreg s2  }
0xa9: {  	[dreg:$0x3] =	wrdreg s4  }
0xaa: {  	[dreg:$0x4] =	wrdreg $0xC0  }
0xab: {  	_ =	task [dreg:s6], $0x5FFFF  }
0xac: {  	[dreg:$0x1] =	wrdreg $0xFFFFFFFF  }
0xad: {  	[dreg:$0x0] =	wrdreg $0x60  }
0xae: {  	[dreg:$0x2] =	wrdreg s24  }
0xaf: {  	[dreg:$0x3] =	wrdreg $0x41000  }
0xb0: {  	[dreg:$0x4] =	wrdreg $0x9  }
0xb1: {  	_ =	task.clear_ibuf [dreg:s6], $0x5FFFF;
	_ =	strace $0x9000004C  }
0xb2: {  	s29 =	simm.s32 $0x9;
	_ =	strace $0x8000004E  }
0xb3: {  	_ =	swait.ge [sflag:s29], $0x1  }
0xb4: {  	[sflag:s29] =	ssyncadd.s32 $0xFFFFFFFF  }
0xb5: {  	_ =	strace $0x9000004E  }
0xb6: {  	_ =	sfence  }
0xb7: {  	s30 =	sld [smem:$0x0];
	_ =	sdelay $0x2  }
0xb8: {  	s31 =	sshll.u32 s1, $0xD;
	s1 =	sshrl.u32 s1, $0x2  }
0xb9: {  	s3 =	sand.u32 $0x4000, s31;
	s1 =	sadd.s32 s1, s30  }
0xba: {  	s0 =	sor.u32 s3, s0;
	s1 =	sshll.u32 s1, $0x11  }
0xbb: {  	s0 =	sor.u32 s1, s0  }
0xbc: {  	s0 =	sadd.s32 $0x8F2B, s0  }
0xbd: {  	[sflag:s0] =	ssyncadd.remote.s32 $0x1  }
0xbe: {  	_ =	sfence.sel $0xFFFF  }
0xbf: {  	[dreg:$0x0] =	wrdreg $0xFFFFFFFF;
	(pc) =	sbr.abs _section_cstart, $3  }
0xc0: {  	[dreg:$0x1] =	wrdreg $0xFFFFFFFF  }
0xc1: {  	_ =	task.clear_ibuf [dreg:s6], $0x2FFFF;
	_ =	strace $0x9FFFFFFF  }
0xc2: {  	(tm) =	ssettm $0x7FFFFFFF  }
0xc3: {  	_ =	shalt  }
tec
execute0_lowered:
.L_overlay_start_1:
0x0: {  	(tag) =	ssettag $0x1  }
0x1: {  	s5 =	rddreg [dreg:$0x0];
	s0 =	srdreg.scid  }
0x2: {  	s2 =	rddreg [dreg:$0x1];
	s1 =	stileid.u32  }
0x3: {  	s3 =	simm.s32 $0x0;
	s13 =	simm.s32 $0x80;
	s7 =	smul.u32 $0x14000, s1  }
0x4: {  	s14 =	simm.s32 $0x100;
	s15 =	simm.s32 $0x1;
	s25 =	smul.u32 $0x50000, s1  }
0x5: {  	s6 =	sand.u32 $0x1, s0;
	s0 =	rddreg [dreg:$0x2];
	s29 =	smul.u32 $0x4F0, s1  }
0x6: {  	s16 =	simm.s32 $0x0;
	[smem:$0x7FF] =	sst s3;
	s4 =	smul.u32 $0x4F00, s6  }
0x7: {  	s30 =	sshll.u32 s1, $0x6;
	s8 =	smul.u32 $0x140000, s6;
	s6 =	ssub.s32 $0x2, s6  }
0x8: {  	_ =	strace $0x8000004D;
	s10 =	sshrl.u32 s7, $0x3;
	s26 =	sshrl.u32 s6, $0x1  }
0x9: {  	s28 =	sshrl.u32 s25, $0x2;
	s9 =	sadd.s32 s4, s5;
	s4 =	sadd.s32 $0x91C00, s5  }
0xa: {  	s7 =	sadd.s32 s7, s8;
	s10 =	sadd.s32 s10, s5;
	s11 =	ssub.s32 s6, s26  }
0xb: {  	s12 =	sadd.s32 s28, s2;
	s6 =	sor.u32 $0x1C02, s30;
	s7 =	sshrl.u32 s7, $0x3  }
0xc: {  	s31 =	sadd.s32 s29, s9;
	s8 =	smax.u32 s11, $0x1;
	s11 =	sshrl.u32 s12, $0x3  }
0xd: {  	s12 =	simm.s32 $0x2;
	s7 =	sadd.s32 s7, s5;
	s5 =	sadd.s32 $0xF600, s10  }
0xe: {  	s9 =	sadd.s32 $0x5800, s31;
	s10 =	sadd.s32 $0x87E00, s31;
	s7 =	sadd.s32 $0xB9C00, s7  }
.LBB2_1:
0xf: {  	[spmem:s11], [sflag:s6] =	dma.local [hbm:s5], $0x2800  }
0x10: {  	_ =	swait.ge [sflag:s12], $0x2800  }
0x11: {  	[sflag:s12] =	ssyncset.done $0x0  }
0x12: {  	[sflag:s12] =	ssyncadd.s32 $0xFFFFD800  }
0x13: {  	s17 =	sadd.s32 $0x0, s10;
	[bflag:$0x0] =	sbarrier.arrive $0xFFFF  }
0x14: {  	[tilespmem:s3], [sflag:$0x2] =	stream.linear.gather [hbm4b:s17+s3], $0x80, $0x38;
	[tilespmem:$0x18100] =	vst v63  }
0x15: {  	_ =	swait.ge [sflag:s12], $0x80  }
0x16: {  	[sflag:s12] =	ssyncset.done $0x0  }
0x17: {  	[sflag:s12] =	ssyncadd.s32 $0xFFFFFF80  }
0x18: {  	[tilespmem:s14], [sflag:$0x1] =	stream.indirect.gather [hbm4b:s4+s13], $0x80, s3, s13, $0xb8;
	[tilespmem:$0x18100] =	vst v63  }
0x19: {  	_ =	swait.ge [sflag:s15], $0x4000  }
0x1a: {  	[sflag:s15] =	ssyncset.done $0x0  }
0x1b: {  	s31 =	sadd.s32 $0x0, s9;
	[sflag:s15] =	ssyncadd.s32 $0xFFFFC000  }
0x1c: {  	[tilespmem:s13], [sflag:$0x2] =	stream.linear.gather [hbm4b:s31+s3], $0x80, $0x38;
	[tilespmem:$0x18100] =	vst v63  }
0x1d: {  	_ =	swait.ge [sflag:s12], $0x80  }
0x1e: {  	[sflag:s12] =	ssyncset.done $0x0  }
0x1f: {  	[sflag:s12] =	ssyncadd.s32 $0xFFFFFF80  }
0x20: {  	[spmem:s2] =	stream.indirect.scatter.add.f32 [tilespmem:s14], [sflag:$0x2], $0x80, s13, s13, $0xb8;
	[tilespmem:$0x18100] =	vst v63  }
0x21: {  	_ =	swait.ge [sflag:s12], $0x4000  }
0x22: {  	s18 =	simm.s32 $0x20;
	s17 =	simm.s32 $0x10;
	[sflag:s12] =	ssyncset.done $0x0  }
.LBB2_2:
0x23: {  	s19 =	sadd.s32 s17, s10  }
0x24: {  	[sflag:s12] =	ssyncadd.s32 $0xFFFFC000;
	s20 =	smov.u32 s18;
	s21 =	sadd.s32 $0x10, s18  }
0x25: {  	[tilespmem:s3], [sflag:$0x2] =	stream.linear.gather [hbm4b:s19+s3], $0x80, $0x38;
	[tilespmem:$0x18100] =	vst v63  }
0x26: {  	p0 =	sne.s32 s18, $0x4E0;
	_ =	swait.ge [sflag:s12], $0x80  }
0x27: {  	[sflag:s12] =	ssyncset.done $0x0  }
0x28: {  	[sflag:s12] =	ssyncadd.s32 $0xFFFFFF80  }
0x29: {  	[tilespmem:s14], [sflag:$0x1] =	stream.indirect.gather [hbm4b:s4+s13], $0x80, s3, s13, $0xb8;
	[tilespmem:$0x18100] =	vst v63  }
0x2a: {  	_ =	swait.ge [sflag:s15], $0x4000  }
0x2b: {  	[sflag:s15] =	ssyncset.done $0x0  }
0x2c: {  	s18 =	sadd.s32 s17, s9;
	s17 =	smov.u32 s20;
	[sflag:s15] =	ssyncadd.s32 $0xFFFFC000  }
0x2d: {  	[tilespmem:s13], [sflag:$0x2] =	stream.linear.gather [hbm4b:s18+s3], $0x80, $0x38;
	[tilespmem:$0x18100] =	vst v63  }
0x2e: {  	_ =	swait.ge [sflag:s12], $0x80  }
.Ltmp0:
0x2f: {  	[sflag:s12] =	ssyncset.done $0x0;
	(pc) =	sbr.rel @p0 .LBB2_2-.Ltmp0, $4  }
0x30: {  	[sflag:s12] =	ssyncadd.s32 $0xFFFFFF80  }
0x31: {  	[spmem:s2] =	stream.indirect.scatter.add.f32 [tilespmem:s14], [sflag:$0x2], $0x80, s13, s13, $0xb8;
	[tilespmem:$0x18100] =	vst v63  }
0x32: {  	_ =	swait.ge [sflag:s12], $0x4000  }
0x33: {  	s18 =	smov.u32 s21;
	[sflag:s12] =	ssyncset.done $0x0  }
0x34: {  	s18 =	sadd.s32 s17, s10;
	[sflag:s12] =	ssyncadd.s32 $0xFFFFC000  }
0x35: {  	[tilespmem:s3], [sflag:$0x2] =	stream.linear.gather [hbm4b:s18+s3], $0x80, $0x38;
	[tilespmem:$0x18100] =	vst v63  }
0x36: {  	_ =	swait.ge [sflag:s12], $0x80  }
0x37: {  	[sflag:s12] =	ssyncset.done $0x0  }
0x38: {  	[sflag:s12] =	ssyncadd.s32 $0xFFFFFF80  }
0x39: {  	[tilespmem:s14], [sflag:$0x1] =	stream.indirect.gather [hbm4b:s4+s13], $0x80, s3, s13, $0xb8;
	[tilespmem:$0x18100] =	vst v63  }
0x3a: {  	_ =	swait.ge [sflag:s15], $0x4000  }
0x3b: {  	[sflag:s15] =	ssyncset.done $0x0  }
0x3c: {  	s31 =	sadd.s32 s17, s9;
	[sflag:s15] =	ssyncadd.s32 $0xFFFFC000  }
0x3d: {  	[tilespmem:s13], [sflag:$0x2] =	stream.linear.gather [hbm4b:s31+s3], $0x80, $0x38;
	[tilespmem:$0x18100] =	vst v63  }
0x3e: {  	_ =	swait.ge [sflag:s12], $0x80  }
0x3f: {  	[sflag:s12] =	ssyncset.done $0x0  }
0x40: {  	[sflag:s12] =	ssyncadd.s32 $0xFFFFFF80  }
0x41: {  	[spmem:s2] =	stream.indirect.scatter.add.f32 [tilespmem:s14], [sflag:$0x2], $0x80, s13, s13, $0xb8;
	[tilespmem:$0x18100] =	vst v63  }
0x42: {  	_ =	swait.ge [sflag:s12], $0x4000  }
0x43: {  	s16 =	sadd.s32 $0x1, s16;
	[sflag:s12] =	ssyncset.done $0x0  }
0x44: {  	p0 =	sne.s32 s16, s8;
	[sflag:s12] =	ssyncadd.s32 $0xFFFFC000  }
.Ltmp1:
0x45: {  	[bflag:$0x0] =	sbarrier.arrive $0xFFFF;
	(pc) =	sbr.rel @p0 .LBB2_1-.Ltmp1, $4  }
0x46: {  	[hbm:s7], [sflag:s6] =	dma.local [spmem:s11], $0x2800  }
0x47: {  	_ =	swait.ge [sflag:s12], $0x2800  }
0x48: {  	[sflag:s12] =	ssyncset.done $0x0  }
0x49: {  	[sflag:s12] =	ssyncadd.s32 $0xFFFFD800  }
0x4a: {  	_ =	sfence.sel $0x180000  }
0x4b: {  	[bflag:$0x0] =	sbarrier.arrive $0xFFFF  }
0x4c: {  	p0 =	sne.s32 s1, $0x0;
	_ =	strace $0x9000004D  }
0x4d: {  	s0 =	sadd.s32 @!p0 $0x100000, s0;
	[bflag:$0x2] =	sbarrier.arrive $0xFFFF  }
0x4e: {  	[sflag:s0] =	ssyncadd.tile.s32 @!p0 $0x1;
	_ =	shalt  }
.Lfunc_end2:
_tile_overlayer_lowered:
.L_overlay_start_2:
0x4f: {  	(tag) =	ssettag $0x2  }
0x50: {  	s0 =	rddreg [dreg:$0x0];
	s2 =	stileid.u32  }
0x51: {  	s1 =	rddreg [dreg:$0x1];
	p0 =	sne.s32 s2, $0x0  }
0x52: {  	s3 =	rddreg [dreg:$0x2];
	[bflag:$0x3] =	sbarrier.arrive $0xFFFF;
	s2 =	simm.s32 @!p0 $0x1C02  }
0x53: {  	[timem:s3], [sflag:s2] =	dma.local @!p0 [hbm:s0], s1  }
0x54: {  	s0 =	simm.s32 @!p0 $0x2  }
0x55: {  	_ =	swait.ge @!p0 [sflag:s0], s1  }
0x56: {  	s1 =	ssub.s32 @!p0 $0x0, s1;
	[sflag:s0] =	ssyncset.done @!p0 $0x0  }
0x57: {  	[sflag:s0] =	ssyncadd.s32 @!p0 s1  }
0x58: {  	[bflag:$0x3] =	sbarrier.arrive $0xFFFF  }
0x59: {  	_ =	shalt  }

// kernel: kernel.19.cloned.1.call-start
scs
__scs_entry_jumppad:
0x0: {  	(pc) =	sbr.rel $0x88, $3  }
0x1: {  	(tag) =	ssettag $0x0;
	lr =	simm.s32 $0x1  }
0x2: {  	[smem:$0x3F91] =	sst lr;
	_ =	strace $0xD0000000  }
0x3: {  	_ = 	snop  }
0x4: {  	_ = 	snop  }
0x5: {  	_ = 	snop  }
0x6: {  	_ = 	snop  }
0x7: {  	_ = 	snop  }
__scs_overlays_trampoline_lowered:
0x8: {  	[smem:$0x3FA0] =	sst s0  }
0x9: {  	[smem:$0x3FA1] =	sst s1  }
0xa: {  	[smem:$0x3FA2] =	sst s2  }
0xb: {  	[smem:$0x3FA3] =	sst s3  }
0xc: {  	[smem:$0x3FA4] =	sst s4  }
0xd: {  	[smem:$0x3FA5] =	sst s5  }
0xe: {  	[smem:$0x3FA6] =	sst s6  }
0xf: {  	[smem:$0x3FA7] =	sst s7  }
0x10: {  	[smem:$0x3FA8] =	sst s8  }
0x11: {  	[smem:$0x3FA9] =	sst s9;
	s0 =	simm.s32 @!p0 $0x0  }
0x12: {  	s1 =	sld [smem:$0x3F8F];
	s0 =	simm.s32 @p0 $0x1  }
0x13: {  	[smem:$0x3FAA] =	sst s0;
	s0 =	simm.s32 @!p1 $0x0  }
0x14: {  	s2 =	sld [smem:$0x3F8E];
	s0 =	simm.s32 @p1 $0x1  }
0x15: {  	[smem:$0x3FAB] =	sst s0;
	s0 =	simm.s32 @!p2 $0x0  }
0x16: {  	s3 =	sld [smem:$0x3FDB];
	s0 =	simm.s32 @p2 $0x1  }
0x17: {  	s4 =	simm.s32 $0x1BF5;
	[smem:$0x3FAD] =	sst s0  }
0x18: {  	s0 =	sld [smem:$0x3F90];
	_ =	swait.ge [sflag:s4], $0x0  }
0x19: {  	s7 =	sld [smem:$0x3F91]  }
0x1a: {  	s8 =	sadd.s32 $0xFFFFE003, lr  }
0x1b: {  	s9 =	sadd.s32 $0xFFFFFEF7, lr;
	s5 =	simm.s32 $0xFFFFFFFF;
	p2 =	slt.u32 s8, $0xFFFFF086  }
0x1c: {  	p1 =	slt.u32 s9, $0xF7A;
	s5 =	simm.s32 @!p2 $0x0  }
0x1d: {  	s5 =	simm.s32 @p1 $0x1;
	p0 =	seq.s32 s7, s2  }
0x1e: {  	s7 =	smul.u32 @!p0 $0xF7A, s2;
	p2 =	seq.s32 @!p0 s5, $0x0  }
0x1f: {  	s9 =	smul.u32 $0xF7A, s1;
	s8 =	simm.s32 @!p0 $0x1BF5;
	p2 =	por !p2, p0  }
0x20: {  	[sflag:s8] =	ssyncset.s32 @!p0 $0xFFFFF086;
	s6 =	sadd.s32 @!p0 s3, s7;
	s7 =	simm.s32 @!p0 $0x108  }
0x21: {  	s3 =	sadd.s32 s3, s9;
	s6 =	sadd.s32 @!p0 $0x88, s6;
	s7 =	simm.s32 @p2 $0x1082  }
0x22: {  	[simem:s7], [sflag:s8] =	dma.local @!p0 [hbm:s6], $0xF7A  }
0x23: {  	s9 =	sor.u32 $0xD0000000, s2;
	s6 =	simm.s32 $0x108;
	_ =	swait.ge @!p0 [sflag:s8], $0x0  }
0x24: {  	s3 =	sadd.s32 $0x88, s3;
	s6 =	simm.s32 @!p1 $0x1082;
	[sflag:s4] =	ssyncset.s32 $0xFFFFF086  }
0x25: {  	[simem:s6], [sflag:s4] =	dma.local [hbm:s3], $0xF7A  }
0x26: {  	[smem:$0x3F91] =	sst s1;
	(tag) =	ssettag s2;
	_ =	strace s9  }
0x27: {  	s1 =	sld [smem:$0x3FA1]  }
0x28: {  	s2 =	sld [smem:$0x3FA2]  }
0x29: {  	s4 =	sld [smem:$0x3FA4]  }
0x2a: {  	p0 =	seq.s32 s5, $0x0;
	s5 =	sld [smem:$0x3FA5]  }
0x2b: {  	s6 =	sld [smem:$0x3FA6]  }
0x2c: {  	s7 =	sld [smem:$0x3FA7]  }
0x2d: {  	s3 =	simm.s32 $0x108;
	s8 =	sld [smem:$0x3FA8]  }
0x2e: {  	s3 =	simm.s32 @!p0 $0x1082;
	s9 =	sld [smem:$0x3FA9]  }
0x2f: {  	lr =	sadd.s32 s0, s3;
	s0 =	sld [smem:$0x3FA0]  }
0x30: {  	s3 =	sld [smem:$0x3FA3]  }
0x31: {  	[smem:$0x3FAC] =	sst s10  }
0x32: {  	s10 =	sld [smem:$0x3FAA];
	_ =	sdelay $0x3  }
0x33: {  	p0 =	seq.s32 s10, $0x1;
	s10 =	sld [smem:$0x3FAC];
	_ =	sdelay $0x3  }
0x34: {  	[smem:$0x3FAC] =	sst s10  }
0x35: {  	s10 =	sld [smem:$0x3FAB];
	_ =	sdelay $0x3  }
0x36: {  	p1 =	seq.s32 s10, $0x1;
	s10 =	sld [smem:$0x3FAC];
	_ =	sdelay $0x3  }
0x37: {  	[smem:$0x3FAC] =	sst s10  }
0x38: {  	s10 =	sld [smem:$0x3FAD]  }
0x39: {  	_ = 	snop;
	(pc) =	sbr.ind lr, $3  }
0x3a: {  	_ = 	snop  }
0x3b: {  	_ = 	snop  }
0x3c: {  	p2 =	seq.s32 s10, $0x1;
	s10 =	sld [smem:$0x3FAC]  }
0x3d: {  	_ =	shalt  }
0x3e: {  	_ =	shalt  }
0x3f: {  	_ =	shalt  }
0x40: {  	_ =	shalt  }
0x41: {  	_ =	shalt  }
0x42: {  	_ =	shalt  }
0x43: {  	_ =	shalt  }
0x44: {  	_ =	shalt  }
0x45: {  	_ =	shalt  }
0x46: {  	_ =	shalt  }
0x47: {  	_ =	shalt  }
0x48: {  	_ =	shalt  }
0x49: {  	_ =	shalt  }
0x4a: {  	_ =	shalt  }
0x4b: {  	_ =	shalt  }
0x4c: {  	_ =	shalt  }
0x4d: {  	_ =	shalt  }
0x4e: {  	_ =	shalt  }
0x4f: {  	_ =	shalt  }
0x50: {  	_ =	shalt  }
0x51: {  	_ =	shalt  }
0x52: {  	_ =	shalt  }
0x53: {  	_ =	shalt  }
0x54: {  	_ =	shalt  }
0x55: {  	_ =	shalt  }
0x56: {  	_ =	shalt  }
0x57: {  	_ =	shalt  }
0x58: {  	_ =	shalt  }
0x59: {  	_ =	shalt  }
0x5a: {  	_ =	shalt  }
0x5b: {  	_ =	shalt  }
0x5c: {  	_ =	shalt  }
0x5d: {  	_ =	shalt  }
0x5e: {  	_ =	shalt  }
0x5f: {  	_ =	shalt  }
0x60: {  	_ =	shalt  }
0x61: {  	_ =	shalt  }
0x62: {  	_ =	shalt  }
0x63: {  	_ =	shalt  }
0x64: {  	_ =	shalt  }
0x65: {  	_ =	shalt  }
0x66: {  	_ =	shalt  }
0x67: {  	_ =	shalt  }
0x68: {  	_ =	shalt  }
0x69: {  	_ =	shalt  }
0x6a: {  	_ =	shalt  }
0x6b: {  	_ =	shalt  }
0x6c: {  	_ =	shalt  }
0x6d: {  	_ =	shalt  }
0x6e: {  	_ =	shalt  }
0x6f: {  	_ =	shalt  }
0x70: {  	_ =	shalt  }
0x71: {  	_ =	shalt  }
0x72: {  	_ =	shalt  }
0x73: {  	_ =	shalt  }
0x74: {  	_ =	shalt  }
0x75: {  	_ =	shalt  }
0x76: {  	_ =	shalt  }
0x77: {  	_ =	shalt  }
0x78: {  	_ =	shalt  }
0x79: {  	_ =	shalt  }
0x7a: {  	_ =	shalt  }
0x7b: {  	_ =	shalt  }
0x7c: {  	_ =	shalt  }
0x7d: {  	_ =	shalt  }
0x7e: {  	_ =	shalt  }
0x7f: {  	_ =	shalt  }
0x80: {  	_ =	shalt  }
0x81: {  	_ =	shalt  }
0x82: {  	_ =	shalt  }
0x83: {  	_ =	shalt  }
0x84: {  	_ =	shalt  }
0x85: {  	_ =	shalt  }
0x86: {  	_ =	shalt  }
0x87: {  	_ =	shalt  }
.Lfunc_end0:
.L_simem_size_0:
called_computation.3_lowered:
.L_overlay_start_0:
0x88: {  	s2 =	sld [smem:$0x3FD9]  }
0x89: {  	s3 =	sld [smem:$0x3FFE];
	_ =	sdelay $0x1  }
0x8a: {  	s1 =	srdreg.scid  }
0x8b: {  	s0 =	sand.u32 $0x1, s1  }
0x8c: {  	s16 =	sshll.u32 s0, $0xA;
	s2 =	sadd.s32 s3, s2  }
0x8d: {  	s2 =	sadd.s32 s2, s16  }
0x8e: {  	[smem:$0x3FB8] =	sst s2  }
0x8f: {  	_ = 	snop  }
0x90: {  	(tm) =	ssettm $0x1  }
0x91: {  	s17 =	sld [smem:$0x3FFB];
	_ =	sdelay $0x3  }
0x92: {  	_ =	strace s17  }
0x93: {  	s2 =	sld [smem:$0x3FFC];
	_ =	sdelay $0x3  }
0x94: {  	_ =	strace s2  }
0x95: {  	s2 =	sld [smem:$0x3FFD];
	_ =	sdelay $0x3  }
0x96: {  	_ =	strace s2  }
0x97: {  	_ =	strace $0x8FFFFFFF  }
0x98: {  	s18 =	sld [smem:$0x3FDB];
	_ =	sdelay $0x1  }
0x99: {  	s19 =	simm.s32 $_scs_section_size  }
0x9a: {  	s4 =	simm.s32 $_size__tile_overlayer_lowered;
	s5 =	simm.s32 $_tile_overlayer_lowered  }
0x9b: {  	s22 =	simm.s32 $0x1BFF;
	s21 =	sshll.u32 s5, $0x1;
	s2 =	sadd.s32 s19, s18  }
0x9c: {  	s6 =	simm.s32 $0x0;
	s20 =	sshll.u32 s4, $0x1;
	s4 =	sadd.s32 s21, s2  }
0x9d: {  	[timem:s6], [sflag:s22] =	dma.local [hbm:s4], s20  }
0x9e: {  	_ =	swait.ge [sflag:s22], s20  }
0x9f: {  	s3 =	ssub.s32 $0x0, s20;
	[sflag:s22] =	ssyncset.done $0x0  }
0xa0: {  	[sflag:s22] =	ssyncadd.s32 s3;
	_ =	sdelay $0x1  }
0xa1: {  	s23 =	simm.s32 $0x1B8B  }
0xa2: {  	_ =	swait.ge [sflag:s23], $0x1  }
0xa3: {  	[sflag:s23] =	ssyncset.done $0x0  }
0xa4: {  	s25 =	simm.s32 $0x1B8E;
	s24 =	sld [smem:$0x3FFE];
	[sflag:s23] =	ssyncadd.s32 $0xFFFFFFFF  }
0xa5: {  	s26 =	simm.s32 $execute0_lowered;
	[smem:$0x3FD2] =	sst s25  }
0xa6: {  	s4 =	sshll.u32 s26, $0x1;
	_ =	strace $0x8000004F;
	[dreg:$0x1] =	wrdreg $0xFFFFFFFF  }
0xa7: {  	s28 =	simm.s32 $_size_execute0_lowered;
	s2 =	sadd.s32 s2, s4;
	[dreg:$0x0] =	wrdreg $0x0  }
0xa8: {  	s4 =	sshll.u32 s28, $0x1;
	[dreg:$0x2] =	wrdreg s2  }
0xa9: {  	[dreg:$0x3] =	wrdreg s4  }
0xaa: {  	[dreg:$0x4] =	wrdreg $0xC0  }
0xab: {  	_ =	task [dreg:s6], $0x5FFFF  }
0xac: {  	[dreg:$0x1] =	wrdreg $0xFFFFFFFF  }
0xad: {  	[dreg:$0x0] =	wrdreg $0x60  }
0xae: {  	[dreg:$0x2] =	wrdreg s24  }
0xaf: {  	[dreg:$0x3] =	wrdreg $0x41000  }
0xb0: {  	[dreg:$0x4] =	wrdreg $0x9  }
0xb1: {  	_ =	task.clear_ibuf [dreg:s6], $0x5FFFF;
	_ =	strace $0x9000004F  }
0xb2: {  	s29 =	simm.s32 $0x9;
	_ =	strace $0x80000051  }
0xb3: {  	_ =	swait.ge [sflag:s29], $0x1  }
0xb4: {  	[sflag:s29] =	ssyncadd.s32 $0xFFFFFFFF  }
0xb5: {  	_ =	strace $0x90000051  }
0xb6: {  	_ =	sfence  }
0xb7: {  	s30 =	sld [smem:$0x0];
	_ =	sdelay $0x2  }
0xb8: {  	s31 =	sshll.u32 s1, $0xD;
	s1 =	sshrl.u32 s1, $0x2  }
0xb9: {  	s3 =	sand.u32 $0x4000, s31;
	s1 =	sadd.s32 s1, s30  }
0xba: {  	s0 =	sor.u32 s3, s0;
	s1 =	sshll.u32 s1, $0x11  }
0xbb: {  	s0 =	sor.u32 s1, s0  }
0xbc: {  	s0 =	sadd.s32 $0x8F2B, s0  }
0xbd: {  	[sflag:s0] =	ssyncadd.remote.s32 $0x1  }
0xbe: {  	_ =	sfence.sel $0xFFFF  }
0xbf: {  	[dreg:$0x0] =	wrdreg $0xFFFFFFFF;
	(pc) =	sbr.abs _section_cstart, $3  }
0xc0: {  	[dreg:$0x1] =	wrdreg $0xFFFFFFFF  }
0xc1: {  	_ =	task.clear_ibuf [dreg:s6], $0x2FFFF;
	_ =	strace $0x9FFFFFFF  }
0xc2: {  	(tm) =	ssettm $0x7FFFFFFF  }
0xc3: {  	_ =	shalt  }
tec
execute0_lowered:
.L_overlay_start_1:
0x0: {  	(tag) =	ssettag $0x1  }
0x1: {  	s5 =	rddreg [dreg:$0x0];
	s0 =	srdreg.scid  }
0x2: {  	s2 =	rddreg [dreg:$0x1];
	s1 =	stileid.u32  }
0x3: {  	s3 =	simm.s32 $0x0;
	s13 =	simm.s32 $0x80;
	s7 =	smul.u32 $0x14000, s1  }
0x4: {  	s14 =	simm.s32 $0x100;
	s15 =	simm.s32 $0x1;
	s25 =	smul.u32 $0x50000, s1  }
0x5: {  	s6 =	sand.u32 $0x1, s0;
	s0 =	rddreg [dreg:$0x2];
	s29 =	smul.u32 $0x4F0, s1  }
0x6: {  	s16 =	simm.s32 $0x0;
	[smem:$0x7FF] =	sst s3;
	s4 =	smul.u32 $0x4F00, s6  }
0x7: {  	s30 =	sshll.u32 s1, $0x6;
	s8 =	smul.u32 $0x140000, s6;
	s6 =	ssub.s32 $0x2, s6  }
0x8: {  	_ =	strace $0x80000050;
	s10 =	sshrl.u32 s7, $0x3;
	s26 =	sshrl.u32 s6, $0x1  }
0x9: {  	s28 =	sshrl.u32 s25, $0x2;
	s9 =	sadd.s32 s4, s5;
	s4 =	sadd.s32 $0x91C00, s5  }
0xa: {  	s7 =	sadd.s32 s7, s8;
	s10 =	sadd.s32 s10, s5;
	s11 =	ssub.s32 s6, s26  }
0xb: {  	s12 =	sadd.s32 s28, s2;
	s6 =	sor.u32 $0x1C02, s30;
	s7 =	sshrl.u32 s7, $0x3  }
0xc: {  	s31 =	sadd.s32 s29, s9;
	s8 =	smax.u32 s11, $0x1;
	s11 =	sshrl.u32 s12, $0x3  }
0xd: {  	s12 =	simm.s32 $0x2;
	s7 =	sadd.s32 s7, s5;
	s5 =	sadd.s32 $0xF600, s10  }
0xe: {  	s9 =	sadd.s32 $0x5800, s31;
	s10 =	sadd.s32 $0x87E00, s31;
	s7 =	sadd.s32 $0xB9C00, s7  }
.LBB2_1:
0xf: {  	[spmem:s11], [sflag:s6] =	dma.local [hbm:s5], $0x2800  }
0x10: {  	_ =	swait.ge [sflag:s12], $0x2800  }
0x11: {  	[sflag:s12] =	ssyncset.done $0x0  }
0x12: {  	[sflag:s12] =	ssyncadd.s32 $0xFFFFD800  }
0x13: {  	s17 =	sadd.s32 $0x0, s10;
	[bflag:$0x0] =	sbarrier.arrive $0xFFFF  }
0x14: {  	[tilespmem:s3], [sflag:$0x2] =	stream.linear.gather [hbm4b:s17+s3], $0x80, $0x38;
	[tilespmem:$0x18100] =	vst v63  }
0x15: {  	_ =	swait.ge [sflag:s12], $0x80  }
0x16: {  	[sflag:s12] =	ssyncset.done $0x0  }
0x17: {  	[sflag:s12] =	ssyncadd.s32 $0xFFFFFF80  }
0x18: {  	[tilespmem:s14], [sflag:$0x1] =	stream.indirect.gather [hbm4b:s4+s13], $0x80, s3, s13, $0xb8;
	[tilespmem:$0x18100] =	vst v63  }
0x19: {  	_ =	swait.ge [sflag:s15], $0x4000  }
0x1a: {  	[sflag:s15] =	ssyncset.done $0x0  }
0x1b: {  	s31 =	sadd.s32 $0x0, s9;
	[sflag:s15] =	ssyncadd.s32 $0xFFFFC000  }
0x1c: {  	[tilespmem:s13], [sflag:$0x2] =	stream.linear.gather [hbm4b:s31+s3], $0x80, $0x38;
	[tilespmem:$0x18100] =	vst v63  }
0x1d: {  	_ =	swait.ge [sflag:s12], $0x80  }
0x1e: {  	[sflag:s12] =	ssyncset.done $0x0  }
0x1f: {  	[sflag:s12] =	ssyncadd.s32 $0xFFFFFF80  }
0x20: {  	[spmem:s2] =	stream.indirect.scatter.add.f32 [tilespmem:s14], [sflag:$0x2], $0x80, s13, s13, $0xb8;
	[tilespmem:$0x18100] =	vst v63  }
0x21: {  	_ =	swait.ge [sflag:s12], $0x4000  }
0x22: {  	s18 =	simm.s32 $0x20;
	s17 =	simm.s32 $0x10;
	[sflag:s12] =	ssyncset.done $0x0  }
.LBB2_2:
0x23: {  	s19 =	sadd.s32 s17, s10  }
0x24: {  	[sflag:s12] =	ssyncadd.s32 $0xFFFFC000;
	s20 =	smov.u32 s18;
	s21 =	sadd.s32 $0x10, s18  }
0x25: {  	[tilespmem:s3], [sflag:$0x2] =	stream.linear.gather [hbm4b:s19+s3], $0x80, $0x38;
	[tilespmem:$0x18100] =	vst v63  }
0x26: {  	p0 =	sne.s32 s18, $0x4E0;
	_ =	swait.ge [sflag:s12], $0x80  }
0x27: {  	[sflag:s12] =	ssyncset.done $0x0  }
0x28: {  	[sflag:s12] =	ssyncadd.s32 $0xFFFFFF80  }
0x29: {  	[tilespmem:s14], [sflag:$0x1] =	stream.indirect.gather [hbm4b:s4+s13], $0x80, s3, s13, $0xb8;
	[tilespmem:$0x18100] =	vst v63  }
0x2a: {  	_ =	swait.ge [sflag:s15], $0x4000  }
0x2b: {  	[sflag:s15] =	ssyncset.done $0x0  }
0x2c: {  	s18 =	sadd.s32 s17, s9;
	s17 =	smov.u32 s20;
	[sflag:s15] =	ssyncadd.s32 $0xFFFFC000  }
0x2d: {  	[tilespmem:s13], [sflag:$0x2] =	stream.linear.gather [hbm4b:s18+s3], $0x80, $0x38;
	[tilespmem:$0x18100] =	vst v63  }
0x2e: {  	_ =	swait.ge [sflag:s12], $0x80  }
.Ltmp0:
0x2f: {  	[sflag:s12] =	ssyncset.done $0x0;
	(pc) =	sbr.rel @p0 .LBB2_2-.Ltmp0, $4  }
0x30: {  	[sflag:s12] =	ssyncadd.s32 $0xFFFFFF80  }
0x31: {  	[spmem:s2] =	stream.indirect.scatter.add.f32 [tilespmem:s14], [sflag:$0x2], $0x80, s13, s13, $0xb8;
	[tilespmem:$0x18100] =	vst v63  }
0x32: {  	_ =	swait.ge [sflag:s12], $0x4000  }
0x33: {  	s18 =	smov.u32 s21;
	[sflag:s12] =	ssyncset.done $0x0  }
0x34: {  	s18 =	sadd.s32 s17, s10;
	[sflag:s12] =	ssyncadd.s32 $0xFFFFC000  }
0x35: {  	[tilespmem:s3], [sflag:$0x2] =	stream.linear.gather [hbm4b:s18+s3], $0x80, $0x38;
	[tilespmem:$0x18100] =	vst v63  }
0x36: {  	_ =	swait.ge [sflag:s12], $0x80  }
0x37: {  	[sflag:s12] =	ssyncset.done $0x0  }
0x38: {  	[sflag:s12] =	ssyncadd.s32 $0xFFFFFF80  }
0x39: {  	[tilespmem:s14], [sflag:$0x1] =	stream.indirect.gather [hbm4b:s4+s13], $0x80, s3, s13, $0xb8;
	[tilespmem:$0x18100] =	vst v63  }
0x3a: {  	_ =	swait.ge [sflag:s15], $0x4000  }
0x3b: {  	[sflag:s15] =	ssyncset.done $0x0  }
0x3c: {  	s31 =	sadd.s32 s17, s9;
	[sflag:s15] =	ssyncadd.s32 $0xFFFFC000  }
0x3d: {  	[tilespmem:s13], [sflag:$0x2] =	stream.linear.gather [hbm4b:s31+s3], $0x80, $0x38;
	[tilespmem:$0x18100] =	vst v63  }
0x3e: {  	_ =	swait.ge [sflag:s12], $0x80  }
0x3f: {  	[sflag:s12] =	ssyncset.done $0x0  }
0x40: {  	[sflag:s12] =	ssyncadd.s32 $0xFFFFFF80  }
0x41: {  	[spmem:s2] =	stream.indirect.scatter.add.f32 [tilespmem:s14], [sflag:$0x2], $0x80, s13, s13, $0xb8;
	[tilespmem:$0x18100] =	vst v63  }
0x42: {  	_ =	swait.ge [sflag:s12], $0x4000  }
0x43: {  	s16 =	sadd.s32 $0x1, s16;
	[sflag:s12] =	ssyncset.done $0x0  }
0x44: {  	p0 =	sne.s32 s16, s8;
	[sflag:s12] =	ssyncadd.s32 $0xFFFFC000  }
.Ltmp1:
0x45: {  	[bflag:$0x0] =	sbarrier.arrive $0xFFFF;
	(pc) =	sbr.rel @p0 .LBB2_1-.Ltmp1, $4  }
0x46: {  	[hbm:s7], [sflag:s6] =	dma.local [spmem:s11], $0x2800  }
0x47: {  	_ =	swait.ge [sflag:s12], $0x2800  }
0x48: {  	[sflag:s12] =	ssyncset.done $0x0  }
0x49: {  	[sflag:s12] =	ssyncadd.s32 $0xFFFFD800  }
0x4a: {  	_ =	sfence.sel $0x180000  }
0x4b: {  	[bflag:$0x0] =	sbarrier.arrive $0xFFFF  }
0x4c: {  	p0 =	sne.s32 s1, $0x0;
	_ =	strace $0x90000050  }
0x4d: {  	s0 =	sadd.s32 @!p0 $0x100000, s0;
	[bflag:$0x2] =	sbarrier.arrive $0xFFFF  }
0x4e: {  	[sflag:s0] =	ssyncadd.tile.s32 @!p0 $0x1;
	_ =	shalt  }
.Lfunc_end2:
_tile_overlayer_lowered:
.L_overlay_start_2:
0x4f: {  	(tag) =	ssettag $0x2  }
0x50: {  	s0 =	rddreg [dreg:$0x0];
	s2 =	stileid.u32  }
0x51: {  	s1 =	rddreg [dreg:$0x1];
	p0 =	sne.s32 s2, $0x0  }
0x52: {  	s3 =	rddreg [dreg:$0x2];
	[bflag:$0x3] =	sbarrier.arrive $0xFFFF;
	s2 =	simm.s32 @!p0 $0x1C02  }
0x53: {  	[timem:s3], [sflag:s2] =	dma.local @!p0 [hbm:s0], s1  }
0x54: {  	s0 =	simm.s32 @!p0 $0x2  }
0x55: {  	_ =	swait.ge @!p0 [sflag:s0], s1  }
0x56: {  	s1 =	ssub.s32 @!p0 $0x0, s1;
	[sflag:s0] =	ssyncset.done @!p0 $0x0  }
0x57: {  	[sflag:s0] =	ssyncadd.s32 @!p0 s1  }
0x58: {  	[bflag:$0x3] =	sbarrier.arrive $0xFFFF  }
0x59: {  	_ =	shalt  }

</sc_bundles>
